<compile_context>
chip_gen: v7x
topology: tpu7x:2x2x1
jax: 0.10.2.dev20260603
libtpu: 0.0.44.dev20260713+nightly
codegen_flags: <defaults>
</compile_context>

<pallas_src>
import functools

import jax
import jax.numpy as jnp
from jax import lax
from jax.experimental import pallas as pl
from jax.experimental.pallas import tpu as pltpu
from jax.experimental.pallas import tpu_sc as plsc

_K = 10
_RP = 128
_CP = 112
_NEG = -3.0e38


def _adj_body(x_ref, inp_ref, outp_ref, coef_ref, o_ref):
    f32 = jnp.float32
    bf = jnp.bfloat16
    x = x_ref[...]
    n = x.shape[0]

    xm = x - jnp.mean(x, axis=1, keepdims=True)
    g = jax.lax.dot_general(xm, xm, (((1,), (1,)), ((), ())),
                            preferred_element_type=f32)
    ss_col = jnp.sum(xm * xm, axis=1, keepdims=True)
    nrm_col = jnp.sqrt(ss_col)
    corr = g / (nrm_col * nrm_col.reshape(1, n))

    ri = jax.lax.broadcasted_iota(jnp.int32, (n, n), 0)
    ci = jax.lax.broadcasted_iota(jnp.int32, (n, n), 1)
    eyef = jnp.where(ri == ci, jnp.asarray(1.0, f32), jnp.asarray(0.0, f32))

    dist0 = (1.0 - corr) * (1.0 - eyef)
    sigma = jnp.mean(dist0)
    fea = jnp.exp(-(dist0 * dist0) / (2.0 * sigma * sigma))

    def cround(s):
        return s.astype(bf).astype(f32)
    pheno = cround(coef_ref[1]) * outp_ref[0].astype(bf).astype(f32)
    for e in range(1, 17):
        pheno = (pheno +
                 cround(coef_ref[e + 1]) * outp_ref[e].astype(bf).astype(f32))
    pheno = pheno + eyef + coef_ref[0] * inp_ref[...]
    adj = fea * pheno

    o_ref[...] = jnp.full((_RP, _CP), _NEG, f32)
    o_ref[0:adj.shape[0], 0:adj.shape[1]] = adj


def _sc_topk_body(adj_hbm, out_hbm, buf, obuf):
    f32 = jnp.float32
    wid = lax.axis_index("s") * 2 + lax.axis_index("c")
    base = wid * 4
    pltpu.sync_copy(adj_hbm.at[pl.ds(base, 4)], buf)
    ii = lax.iota(jnp.int32, 16)

    def vsort(v):
        return plsc.sort_key_val(v, v)[0]

    for r in range(4):
        chunks = [buf[r, pl.ds(c * 16, 16)] for c in range(7)]
        t = vsort(chunks[0])
        for c in range(1, 7):
            s = vsort(chunks[c])
            t = vsort(jnp.maximum(t, lax.rev(s, (0,))))
        sel = jnp.where(ii == (16 - _K), t, jnp.zeros((16,), f32))
        th = jnp.sum(sel)
        tv = jnp.broadcast_to(th, (16,))
        for c in range(7):
            v = chunks[c]
            obuf[r, pl.ds(c * 16, 16)] = jnp.where(
                v >= tv, v, jnp.zeros((16,), f32))
    pltpu.sync_copy(obuf, out_hbm.at[pl.ds(base, 4)])


_sc_topk = functools.partial(
    pl.kernel,
    mesh=plsc.VectorSubcoreMesh(core_axis_name="c", subcore_axis_name="s"),
    out_type=jax.ShapeDtypeStruct((_RP, _CP), jnp.float32),
    scratch_types=[pltpu.VMEM((4, _CP), jnp.float32),
                   pltpu.VMEM((4, _CP), jnp.float32)],
    compiler_params=pltpu.CompilerParams(needs_layout_passes=False),
)(_sc_topk_body)


def _tail_body(adjm_ref, x_ref, fc1w_ref, fc2w_ref, o_ref):
    f32 = jnp.float32
    n = x_ref.shape[0]
    adjm = adjm_ref[0:n, 0:n]
    x1 = jax.lax.dot_general(adjm, x_ref[...], (((1,), (0,)), ((), ())),
                             preferred_element_type=f32)
    h = jax.lax.dot_general(x1, fc1w_ref[...], (((1,), (1,)), ((), ())),
                            preferred_element_type=f32)
    h = jnp.where(h >= 0.0, h, 0.2 * h)
    o = jax.lax.dot_general(h, fc2w_ref[...], (((1,), (0,)), ((), ())),
                            preferred_element_type=f32)
    o_ref[...] = o.reshape(1, n)


def kernel(x, alpha, in_pheno_graph, out_pheno_graph, k, coef,
           fc1_w, fc1_b, fc2_w, fc2_b):
    n = x.shape[0]
    f32 = jnp.float32
    vmem = pl.BlockSpec(memory_space=pltpu.VMEM)
    smem = pl.BlockSpec(memory_space=pltpu.SMEM)
    adj_pad = pl.pallas_call(
        _adj_body,
        out_shape=jax.ShapeDtypeStruct((_RP, _CP), f32),
        in_specs=[vmem, vmem, vmem, smem],
        out_specs=vmem,
    )(x, in_pheno_graph, out_pheno_graph, coef.astype(f32))
    adjm = _sc_topk(adj_pad)
    out_row = pl.pallas_call(
        _tail_body,
        out_shape=jax.ShapeDtypeStruct((1, n), f32),
        in_specs=[vmem, vmem, vmem, vmem],
        out_specs=vmem,
    )(adjm, x, fc1_w, fc2_w.reshape(-1, 1))
    return out_row.reshape(n)

# --- scband reference (transcript-rebuilt; emitter-appended) ---
"""Pipeline reference for scband-gcn-fc-locv-14877766713521 (READ-ONLY COPY).

The authoritative reference and input builder live on the scoring server;
editing this copy changes nothing except your own understanding.
"""

import jax, jax.numpy as jnp
import numpy as np


def cal_fea_adj(x, alpha):
    bs = x.shape[0]
    xm = x - jnp.mean(x, axis=1, keepdims=True)
    nrm = jnp.linalg.norm(xm, axis=1, keepdims=True)
    corr = (xm @ xm.T) / (nrm * nrm.T)
    dist0 = 1.0 - corr
    dist0 = dist0 * (1.0 - jnp.eye(bs, dtype=x.dtype))  # squareform zeros the diagonal
    sigma = jnp.mean(dist0)
    inter = jnp.exp(-dist0 ** 2 / (2.0 * sigma ** 2))
    eye = jnp.eye(bs, dtype=x.dtype)
    return (inter - eye) * alpha + eye


def setup_inputs(seed: int = 0):
    key = jax.random.key(seed)
    ks = jax.random.split(key, 8)
    N = 100
    hid = 4096
    x = jax.random.normal(ks[0], (N, hid), dtype=jnp.float32)
    in_pheno_graph = jax.random.uniform(ks[1], (N, N), dtype=jnp.float32)
    out_pheno_graph = jax.random.uniform(ks[2], (17, N, N), dtype=jnp.float32)
    # learned parameters: 18 scalar coefficients (coef[0] -> self.coefficient for in_pheno_graph,
    # coef[1:18] -> self.coefficient0..16 for out_pheno_graph slices), plus fc1/fc2
    coef = jax.random.normal(ks[3], (18,), dtype=jnp.float32) * 0.1
    fc1_w = jax.random.normal(ks[4], (32, hid), dtype=jnp.float32) * (1.0 / np.sqrt(hid))
    fc1_b = jnp.zeros((32,), dtype=jnp.float32)
    fc2_w = jax.random.normal(ks[5], (1, 32), dtype=jnp.float32) * (1.0 / np.sqrt(32))
    fc2_b = jnp.zeros((1,), dtype=jnp.float32)
    return {"x": x, "alpha": 1, "in_pheno_graph": in_pheno_graph,
            "out_pheno_graph": out_pheno_graph, "k": 10, "coef": coef,
            "fc1_w": fc1_w, "fc1_b": fc1_b, "fc2_w": fc2_w, "fc2_b": fc2_b}


def reference(x, alpha, in_pheno_graph, out_pheno_graph, k, coef, fc1_w, fc1_b, fc2_w, fc2_b):
    N = x.shape[0]
    # torch version computes fea_graph on detached numpy -> no grad through it
    fea_graph = jax.lax.stop_gradient(cal_fea_adj(x, jnp.asarray(alpha, dtype=x.dtype)))
    eye = jnp.eye(N, dtype=jnp.float32)
    pheno_graph1 = jnp.einsum('e,eij->ij', coef[1:18], out_pheno_graph) + eye + coef[0] * in_pheno_graph
    adj = fea_graph * pheno_graph1
    # top-k masking: keep per-row top-k entries, zero the rest
    adj_desc = jnp.sort(adj, axis=-1)[..., ::-1]
    thresh = jnp.take(adj_desc, k - 1, axis=-1)[..., None]
    adj = jnp.where(adj < thresh, 0.0, adj)
    x1 = adj @ x
    h = x1 @ fc1_w.T + fc1_b
    h = jnp.where(h >= 0, h, 0.2 * h)  # LeakyReLU(0.2)
    out = h @ fc2_w.T + fc2_b
    return out.squeeze()

if __name__ == "__main__":
    import jax
    _d = setup_inputs()
    print(jax.jit(kernel)(*tuple(_d.values())))

</pallas_src>

<mosaic_0001>
#map = affine_map<(d0, d1) -> (0, 0)>
module attributes {stable_mosaic.version = 14 : i64} {
  func.func @_sc_topk_body(%arg0: i32, %arg1: i32, %arg2: memref<128x112xf32, #tpu.memory_space<hbm>>, %arg3: memref<128x112xf32, #tpu.memory_space<hbm>>, %arg4: memref<4x112xf32, #tpu.memory_space<vmem>>, %arg5: memref<4x112xf32, #tpu.memory_space<vmem>>) attributes {dimension_semantics = [#tpu.dimension_semantics<core_parallel>, #tpu.dimension_semantics<subcore_parallel>], iteration_bounds = array<i64: 2, 16>, scalar_prefetch = 0 : i64, scratch_operands = 2 : i64, tpu.core_type = #tpu.core_type<sc_vector_subcore>, window_params = [{transform_indices = #map}, {transform_indices = #map}]} {
    %mul3A = arith.constant 2 : i32
    %mul3A_0 = arith.muli %arg1, %mul3A : i32
    %add3A = arith.addi %mul3A_0, %arg0 : i32
    %mul3A_1 = arith.constant 4 : i32
    %mul3A_2 = arith.muli %add3A, %mul3A_1 : i32
    "tpu.region"() ({
      %run_scoped3A = tpu.sem_alloc : memref<!tpu.dma_semaphore, #tpu.memory_space<semaphore_mem>>
      %dma_start3A = arith.constant 0 : i32
      %dma_start3A_725 = tpu.memref_slice %arg2[%mul3A_2, %dma_start3A] : memref<128x112xf32, #tpu.memory_space<hbm>> -> memref<4x112xf32, #tpu.memory_space<hbm>>
      %dma_start3A_726 = arith.constant 0 : i32
      %dma_start3A_727 = tpu.memref_slice %arg2[%mul3A_2, %dma_start3A_726] : memref<128x112xf32, #tpu.memory_space<hbm>> -> memref<4x112xf32, #tpu.memory_space<hbm>>
      tpu.enqueue_dma source(%dma_start3A_727 : memref<4x112xf32, #tpu.memory_space<hbm>>) target(%arg4 : memref<4x112xf32, #tpu.memory_space<vmem>>) target_semaphore(%run_scoped3A : memref<!tpu.dma_semaphore, #tpu.memory_space<semaphore_mem>>)
      %dma_wait3A = arith.constant 0 : i32
      %dma_wait3A_728 = tpu.memref_slice %arg2[%mul3A_2, %dma_wait3A] : memref<128x112xf32, #tpu.memory_space<hbm>> -> memref<4x112xf32, #tpu.memory_space<hbm>>
      %dma_wait3A_729 = arith.constant 0 : i32
      %dma_wait3A_730 = tpu.memref_slice %arg2[%mul3A_2, %dma_wait3A_729] : memref<128x112xf32, #tpu.memory_space<hbm>> -> memref<4x112xf32, #tpu.memory_space<hbm>>
      tpu.wait_dma2 semaphore(%run_scoped3A : memref<!tpu.dma_semaphore, #tpu.memory_space<semaphore_mem>>) src(%dma_wait3A_730 : memref<4x112xf32, #tpu.memory_space<hbm>>) dst(%arg4 : memref<4x112xf32, #tpu.memory_space<vmem>>)
      tpu.yield
    }) : () -> ()
    %iota3A = tpu.iota {dimensions = array<i32: 0>} : vector<16xi32>
    %get3A = arith.constant 0 : i32
    %get3A_3 = arith.index_cast %get3A : i32 to index
    %get3A_4 = arith.constant 0 : index
    %get3A_5 = tpu.vector_load %arg4[%get3A_3, %get3A_4] {strides = array<i32>} : memref<4x112xf32, #tpu.memory_space<vmem>>, vector<16xf32>,
    %get3A_6 = arith.constant 0 : i32
    %get3A_7 = arith.index_cast %get3A_6 : i32 to index
    %get3A_8 = arith.constant 16 : index
    %get3A_9 = tpu.vector_load %arg4[%get3A_7, %get3A_8] {strides = array<i32>} : memref<4x112xf32, #tpu.memory_space<vmem>>, vector<16xf32>,
    %get3A_10 = arith.constant 0 : i32
    %get3A_11 = arith.index_cast %get3A_10 : i32 to index
    %get3A_12 = arith.constant 32 : index
    %get3A_13 = tpu.vector_load %arg4[%get3A_11, %get3A_12] {strides = array<i32>} : memref<4x112xf32, #tpu.memory_space<vmem>>, vector<16xf32>,
    %get3A_14 = arith.constant 0 : i32
    %get3A_15 = arith.index_cast %get3A_14 : i32 to index
    %get3A_16 = arith.constant 48 : index
    %get3A_17 = tpu.vector_load %arg4[%get3A_15, %get3A_16] {strides = array<i32>} : memref<4x112xf32, #tpu.memory_space<vmem>>, vector<16xf32>,
    %get3A_18 = arith.constant 0 : i32
    %get3A_19 = arith.index_cast %get3A_18 : i32 to index
    %get3A_20 = arith.constant 64 : index
    %get3A_21 = tpu.vector_load %arg4[%get3A_19, %get3A_20] {strides = array<i32>} : memref<4x112xf32, #tpu.memory_space<vmem>>, vector<16xf32>,
    %get3A_22 = arith.constant 0 : i32
    %get3A_23 = arith.index_cast %get3A_22 : i32 to index
    %get3A_24 = arith.constant 80 : index
    %get3A_25 = tpu.vector_load %arg4[%get3A_23, %get3A_24] {strides = array<i32>} : memref<4x112xf32, #tpu.memory_space<vmem>>, vector<16xf32>,
    %get3A_26 = arith.constant 0 : i32
    %get3A_27 = arith.index_cast %get3A_26 : i32 to index
    %get3A_28 = arith.constant 96 : index
    %get3A_29 = tpu.vector_load %arg4[%get3A_27, %get3A_28] {strides = array<i32>} : memref<4x112xf32, #tpu.memory_space<vmem>>, vector<16xf32>,
    %masked_sort3A = arith.constant dense<true> : vector<16xi1>
    %masked_sort3A_30, %masked_sort3A_31, %masked_sort3A_32 = tpu.sort %get3A_5, %get3A_5 masked %masked_sort3A : (vector<16xf32>, vector<16xf32>, vector<16xi1>) -> (vector<16xi1>, vector<16xf32>, vector<16xf32>)
    %masked_sort3A_33 = arith.constant dense<true> : vector<16xi1>
    %masked_sort3A_34, %masked_sort3A_35, %masked_sort3A_36 = tpu.sort %get3A_9, %get3A_9 masked %masked_sort3A_33 : (vector<16xf32>, vector<16xf32>, vector<16xi1>) -> (vector<16xi1>, vector<16xf32>, vector<16xf32>)
    %rev3A = arith.constant 15 : i32
    %rev3A_37 = vector.broadcast %rev3A : i32 to vector<16xi32>
    %rev3A_38 = tpu.iota {dimensions = array<i32: 0>} : vector<16xi32>
    %rev3A_39 = arith.subi %rev3A_37, %rev3A_38 : vector<16xi32>
    %rev3A_40 = tpu.dynamic_gather %masked_sort3A_35[%rev3A_39] in [0] : vector<16xf32>, vector<16xi32> -> vector<16xf32>
    %max3A = arith.maximumf %masked_sort3A_31, %rev3A_40 : vector<16xf32>
    %masked_sort3A_41 = arith.constant dense<true> : vector<16xi1>
    %masked_sort3A_42, %masked_sort3A_43, %masked_sort3A_44 = tpu.sort %max3A, %max3A masked %masked_sort3A_41 : (vector<16xf32>, vector<16xf32>, vector<16xi1>) -> (vector<16xi1>, vector<16xf32>, vector<16xf32>)
    %masked_sort3A_45 = arith.constant dense<true> : vector<16xi1>
    %masked_sort3A_46, %masked_sort3A_47, %masked_sort3A_48 = tpu.sort %get3A_13, %get3A_13 masked %masked_sort3A_45 : (vector<16xf32>, vector<16xf32>, vector<16xi1>) -> (vector<16xi1>, vector<16xf32>, vector<16xf32>)
    %rev3A_49 = arith.constant 15 : i32
    %rev3A_50 = vector.broadcast %rev3A_49 : i32 to vector<16xi32>
    %rev3A_51 = tpu.iota {dimensions = array<i32: 0>} : vector<16xi32>
    %rev3A_52 = arith.subi %rev3A_50, %rev3A_51 : vector<16xi32>
    %rev3A_53 = tpu.dynamic_gather %masked_sort3A_47[%rev3A_52] in [0] : vector<16xf32>, vector<16xi32> -> vector<16xf32>
    %max3A_54 = arith.maximumf %masked_sort3A_43, %rev3A_53 : vector<16xf32>
    %masked_sort3A_55 = arith.constant dense<true> : vector<16xi1>
    %masked_sort3A_56, %masked_sort3A_57, %masked_sort3A_58 = tpu.sort %max3A_54, %max3A_54 masked %masked_sort3A_55 : (vector<16xf32>, vector<16xf32>, vector<16xi1>) -> (vector<16xi1>, vector<16xf32>, vector<16xf32>)
    %masked_sort3A_59 = arith.constant dense<true> : vector<16xi1>
    %masked_sort3A_60, %masked_sort3A_61, %masked_sort3A_62 = tpu.sort %get3A_17, %get3A_17 masked %masked_sort3A_59 : (vector<16xf32>, vector<16xf32>, vector<16xi1>) -> (vector<16xi1>, vector<16xf32>, vector<16xf32>)
    %rev3A_63 = arith.constant 15 : i32
    %rev3A_64 = vector.broadcast %rev3A_63 : i32 to vector<16xi32>
    %rev3A_65 = tpu.iota {dimensions = array<i32: 0>} : vector<16xi32>
    %rev3A_66 = arith.subi %rev3A_64, %rev3A_65 : vector<16xi32>
    %rev3A_67 = tpu.dynamic_gather %masked_sort3A_61[%rev3A_66] in [0] : vector<16xf32>, vector<16xi32> -> vector<16xf32>
    %max3A_68 = arith.maximumf %masked_sort3A_57, %rev3A_67 : vector<16xf32>
    %masked_sort3A_69 = arith.constant dense<true> : vector<16xi1>
    %masked_sort3A_70, %masked_sort3A_71, %masked_sort3A_72 = tpu.sort %max3A_68, %max3A_68 masked %masked_sort3A_69 : (vector<16xf32>, vector<16xf32>, vector<16xi1>) -> (vector<16xi1>, vector<16xf32>, vector<16xf32>)
    %masked_sort3A_73 = arith.constant dense<true> : vector<16xi1>
    %masked_sort3A_74, %masked_sort3A_75, %masked_sort3A_76 = tpu.sort %get3A_21, %get3A_21 masked %masked_sort3A_73 : (vector<16xf32>, vector<16xf32>, vector<16xi1>) -> (vector<16xi1>, vector<16xf32>, vector<16xf32>)
    %rev3A_77 = arith.constant 15 : i32
    %rev3A_78 = vector.broadcast %rev3A_77 : i32 to vector<16xi32>
    %rev3A_79 = tpu.iota {dimensions = array<i32: 0>} : vector<16xi32>
    %rev3A_80 = arith.subi %rev3A_78, %rev3A_79 : vector<16xi32>
    %rev3A_81 = tpu.dynamic_gather %masked_sort3A_75[%rev3A_80] in [0] : vector<16xf32>, vector<16xi32> -> vector<16xf32>
    %max3A_82 = arith.maximumf %masked_sort3A_71, %rev3A_81 : vector<16xf32>
    %masked_sort3A_83 = arith.constant dense<true> : vector<16xi1>
    %masked_sort3A_84, %masked_sort3A_85, %masked_sort3A_86 = tpu.sort %max3A_82, %max3A_82 masked %masked_sort3A_83 : (vector<16xf32>, vector<16xf32>, vector<16xi1>) -> (vector<16xi1>, vector<16xf32>, vector<16xf32>)
    %masked_sort3A_87 = arith.constant dense<true> : vector<16xi1>
    %masked_sort3A_88, %masked_sort3A_89, %masked_sort3A_90 = tpu.sort %get3A_25, %get3A_25 masked %masked_sort3A_87 : (vector<16xf32>, vector<16xf32>, vector<16xi1>) -> (vector<16xi1>, vector<16xf32>, vector<16xf32>)
    %rev3A_91 = arith.constant 15 : i32
    %rev3A_92 = vector.broadcast %rev3A_91 : i32 to vector<16xi32>
    %rev3A_93 = tpu.iota {dimensions = array<i32: 0>} : vector<16xi32>
    %rev3A_94 = arith.subi %rev3A_92, %rev3A_93 : vector<16xi32>
    %rev3A_95 = tpu.dynamic_gather %masked_sort3A_89[%rev3A_94] in [0] : vector<16xf32>, vector<16xi32> -> vector<16xf32>
    %max3A_96 = arith.maximumf %masked_sort3A_85, %rev3A_95 : vector<16xf32>
    %masked_sort3A_97 = arith.constant dense<true> : vector<16xi1>
    %masked_sort3A_98, %masked_sort3A_99, %masked_sort3A_100 = tpu.sort %max3A_96, %max3A_96 masked %masked_sort3A_97 : (vector<16xf32>, vector<16xf32>, vector<16xi1>) -> (vector<16xi1>, vector<16xf32>, vector<16xf32>)
    %masked_sort3A_101 = arith.constant dense<true> : vector<16xi1>
    %masked_sort3A_102, %masked_sort3A_103, %masked_sort3A_104 = tpu.sort %get3A_29, %get3A_29 masked %masked_sort3A_101 : (vector<16xf32>, vector<16xf32>, vector<16xi1>) -> (vector<16xi1>, vector<16xf32>, vector<16xf32>)
    %rev3A_105 = arith.constant 15 : i32
    %rev3A_106 = vector.broadcast %rev3A_105 : i32 to vector<16xi32>
    %rev3A_107 = tpu.iota {dimensions = array<i32: 0>} : vector<16xi32>
    %rev3A_108 = arith.subi %rev3A_106, %rev3A_107 : vector<16xi32>
    %rev3A_109 = tpu.dynamic_gather %masked_sort3A_103[%rev3A_108] in [0] : vector<16xf32>, vector<16xi32> -> vector<16xf32>
    %max3A_110 = arith.maximumf %masked_sort3A_99, %rev3A_109 : vector<16xf32>
    %masked_sort3A_111 = arith.constant dense<true> : vector<16xi1>
    %masked_sort3A_112, %masked_sort3A_113, %masked_sort3A_114 = tpu.sort %max3A_110, %max3A_110 masked %masked_sort3A_111 : (vector<16xf32>, vector<16xf32>, vector<16xi1>) -> (vector<16xi1>, vector<16xf32>, vector<16xf32>)
    %eq3A = arith.constant 6 : i32
    %eq3A_115 = vector.broadcast %eq3A : i32 to vector<16xi32>
    %eq3A_116 = arith.cmpi eq, %iota3A, %eq3A_115 : vector<16xi32>
    %broadcast_in_dim3A = arith.constant 0.000000e+00 : f32
    %broadcast_in_dim3A_117 = vector.broadcast %broadcast_in_dim3A : f32 to vector<16xf32>
    %select_n3A = arith.select %eq3A_116, %masked_sort3A_113, %broadcast_in_dim3A_117 : vector<16xi1>, vector<16xf32>
    %reduce_sum3A = arith.constant true
    %reduce_sum3A_118 = vector.broadcast %reduce_sum3A : i1 to vector<16xi1>
    %reduce_sum3A_119 = tpu.scan <sum>, %select_n3A masked %reduce_sum3A_118 : vector<16xf32>, vector<16xi1> -> vector<16xf32>
    %reduce_sum3A_120 = vector.extract %reduce_sum3A_119[15] : f32 from vector<16xf32>
    %broadcast_in_dim3A_121 = vector.broadcast %reduce_sum3A_120 : f32 to vector<16xf32>
    %ge3A = arith.cmpf oge, %get3A_5, %broadcast_in_dim3A_121 : vector<16xf32>
    %broadcast_in_dim3A_122 = arith.constant 0.000000e+00 : f32
    %broadcast_in_dim3A_123 = vector.broadcast %broadcast_in_dim3A_122 : f32 to vector<16xf32>
    %select_n3A_124 = arith.select %ge3A, %get3A_5, %broadcast_in_dim3A_123 : vector<16xi1>, vector<16xf32>
    %swap3A = arith.constant 0 : i32
    %swap3A_125 = arith.index_cast %swap3A : i32 to index
    %swap3A_126 = arith.constant 0 : index
    %swap3A_127 = tpu.vector_load %arg5[%swap3A_125, %swap3A_126] {strides = array<i32>} : memref<4x112xf32, #tpu.memory_space<vmem>>, vector<16xf32>,
    tpu.vector_store %arg5[%swap3A_125, %swap3A_126], %select_n3A_124 {strides = array<i32>} : memref<4x112xf32, #tpu.memory_space<vmem>>, vector<16xf32>,
    %ge3A_128 = arith.cmpf oge, %get3A_9, %broadcast_in_dim3A_121 : vector<16xf32>
    %broadcast_in_dim3A_129 = arith.constant 0.000000e+00 : f32
    %broadcast_in_dim3A_130 = vector.broadcast %broadcast_in_dim3A_129 : f32 to vector<16xf32>
    %select_n3A_131 = arith.select %ge3A_128, %get3A_9, %broadcast_in_dim3A_130 : vector<16xi1>, vector<16xf32>
    %swap3A_132 = arith.constant 0 : i32
    %swap3A_133 = arith.index_cast %swap3A_132 : i32 to index
    %swap3A_134 = arith.constant 16 : index
    %swap3A_135 = tpu.vector_load %arg5[%swap3A_133, %swap3A_134] {strides = array<i32>} : memref<4x112xf32, #tpu.memory_space<vmem>>, vector<16xf32>,
    tpu.vector_store %arg5[%swap3A_133, %swap3A_134], %select_n3A_131 {strides = array<i32>} : memref<4x112xf32, #tpu.memory_space<vmem>>, vector<16xf32>,
    %ge3A_136 = arith.cmpf oge, %get3A_13, %broadcast_in_dim3A_121 : vector<16xf32>
    %broadcast_in_dim3A_137 = arith.constant 0.000000e+00 : f32
    %broadcast_in_dim3A_138 = vector.broadcast %broadcast_in_dim3A_137 : f32 to vector<16xf32>
    %select_n3A_139 = arith.select %ge3A_136, %get3A_13, %broadcast_in_dim3A_138 : vector<16xi1>, vector<16xf32>
    %swap3A_140 = arith.constant 0 : i32
    %swap3A_141 = arith.index_cast %swap3A_140 : i32 to index
    %swap3A_142 = arith.constant 32 : index
    %swap3A_143 = tpu.vector_load %arg5[%swap3A_141, %swap3A_142] {strides = array<i32>} : memref<4x112xf32, #tpu.memory_space<vmem>>, vector<16xf32>,
    tpu.vector_store %arg5[%swap3A_141, %swap3A_142], %select_n3A_139 {strides = array<i32>} : memref<4x112xf32, #tpu.memory_space<vmem>>, vector<16xf32>,
    %ge3A_144 = arith.cmpf oge, %get3A_17, %broadcast_in_dim3A_121 : vector<16xf32>
    %broadcast_in_dim3A_145 = arith.constant 0.000000e+00 : f32
    %broadcast_in_dim3A_146 = vector.broadcast %broadcast_in_dim3A_145 : f32 to vector<16xf32>
    %select_n3A_147 = arith.select %ge3A_144, %get3A_17, %broadcast_in_dim3A_146 : vector<16xi1>, vector<16xf32>
    %swap3A_148 = arith.constant 0 : i32
    %swap3A_149 = arith.index_cast %swap3A_148 : i32 to index
    %swap3A_150 = arith.constant 48 : index
    %swap3A_151 = tpu.vector_load %arg5[%swap3A_149, %swap3A_150] {strides = array<i32>} : memref<4x112xf32, #tpu.memory_space<vmem>>, vector<16xf32>,
    tpu.vector_store %arg5[%swap3A_149, %swap3A_150], %select_n3A_147 {strides = array<i32>} : memref<4x112xf32, #tpu.memory_space<vmem>>, vector<16xf32>,
    %ge3A_152 = arith.cmpf oge, %get3A_21, %broadcast_in_dim3A_121 : vector<16xf32>
    %broadcast_in_dim3A_153 = arith.constant 0.000000e+00 : f32
    %broadcast_in_dim3A_154 = vector.broadcast %broadcast_in_dim3A_153 : f32 to vector<16xf32>
    %select_n3A_155 = arith.select %ge3A_152, %get3A_21, %broadcast_in_dim3A_154 : vector<16xi1>, vector<16xf32>
    %swap3A_156 = arith.constant 0 : i32
    %swap3A_157 = arith.index_cast %swap3A_156 : i32 to index
    %swap3A_158 = arith.constant 64 : index
    %swap3A_159 = tpu.vector_load %arg5[%swap3A_157, %swap3A_158] {strides = array<i32>} : memref<4x112xf32, #tpu.memory_space<vmem>>, vector<16xf32>,
    tpu.vector_store %arg5[%swap3A_157, %swap3A_158], %select_n3A_155 {strides = array<i32>} : memref<4x112xf32, #tpu.memory_space<vmem>>, vector<16xf32>,
    %ge3A_160 = arith.cmpf oge, %get3A_25, %broadcast_in_dim3A_121 : vector<16xf32>
    %broadcast_in_dim3A_161 = arith.constant 0.000000e+00 : f32
    %broadcast_in_dim3A_162 = vector.broadcast %broadcast_in_dim3A_161 : f32 to vector<16xf32>
    %select_n3A_163 = arith.select %ge3A_160, %get3A_25, %broadcast_in_dim3A_162 : vector<16xi1>, vector<16xf32>
    %swap3A_164 = arith.constant 0 : i32
    %swap3A_165 = arith.index_cast %swap3A_164 : i32 to index
    %swap3A_166 = arith.constant 80 : index
    %swap3A_167 = tpu.vector_load %arg5[%swap3A_165, %swap3A_166] {strides = array<i32>} : memref<4x112xf32, #tpu.memory_space<vmem>>, vector<16xf32>,
    tpu.vector_store %arg5[%swap3A_165, %swap3A_166], %select_n3A_163 {strides = array<i32>} : memref<4x112xf32, #tpu.memory_space<vmem>>, vector<16xf32>,
    %ge3A_168 = arith.cmpf oge, %get3A_29, %broadcast_in_dim3A_121 : vector<16xf32>
    %broadcast_in_dim3A_169 = arith.constant 0.000000e+00 : f32
    %broadcast_in_dim3A_170 = vector.broadcast %broadcast_in_dim3A_169 : f32 to vector<16xf32>
    %select_n3A_171 = arith.select %ge3A_168, %get3A_29, %broadcast_in_dim3A_170 : vector<16xi1>, vector<16xf32>
    %swap3A_172 = arith.constant 0 : i32
    %swap3A_173 = arith.index_cast %swap3A_172 : i32 to index
    %swap3A_174 = arith.constant 96 : index
    %swap3A_175 = tpu.vector_load %arg5[%swap3A_173, %swap3A_174] {strides = array<i32>} : memref<4x112xf32, #tpu.memory_space<vmem>>, vector<16xf32>,
    tpu.vector_store %arg5[%swap3A_173, %swap3A_174], %select_n3A_171 {strides = array<i32>} : memref<4x112xf32, #tpu.memory_space<vmem>>, vector<16xf32>,
    %get3A_176 = arith.constant 1 : i32
    %get3A_177 = arith.index_cast %get3A_176 : i32 to index
    %get3A_178 = arith.constant 0 : index
    %get3A_179 = tpu.vector_load %arg4[%get3A_177, %get3A_178] {strides = array<i32>} : memref<4x112xf32, #tpu.memory_space<vmem>>, vector<16xf32>,
    %get3A_180 = arith.constant 1 : i32
    %get3A_181 = arith.index_cast %get3A_180 : i32 to index
    %get3A_182 = arith.constant 16 : index
    %get3A_183 = tpu.vector_load %arg4[%get3A_181, %get3A_182] {strides = array<i32>} : memref<4x112xf32, #tpu.memory_space<vmem>>, vector<16xf32>,
    %get3A_184 = arith.constant 1 : i32
    %get3A_185 = arith.index_cast %get3A_184 : i32 to index
    %get3A_186 = arith.constant 32 : index
    %get3A_187 = tpu.vector_load %arg4[%get3A_185, %get3A_186] {strides = array<i32>} : memref<4x112xf32, #tpu.memory_space<vmem>>, vector<16xf32>,
    %get3A_188 = arith.constant 1 : i32
    %get3A_189 = arith.index_cast %get3A_188 : i32 to index
    %get3A_190 = arith.constant 48 : index
    %get3A_191 = tpu.vector_load %arg4[%get3A_189, %get3A_190] {strides = array<i32>} : memref<4x112xf32, #tpu.memory_space<vmem>>, vector<16xf32>,
    %get3A_192 = arith.constant 1 : i32
    %get3A_193 = arith.index_cast %get3A_192 : i32 to index
    %get3A_194 = arith.constant 64 : index
    %get3A_195 = tpu.vector_load %arg4[%get3A_193, %get3A_194] {strides = array<i32>} : memref<4x112xf32, #tpu.memory_space<vmem>>, vector<16xf32>,
    %get3A_196 = arith.constant 1 : i32
    %get3A_197 = arith.index_cast %get3A_196 : i32 to index
    %get3A_198 = arith.constant 80 : index
    %get3A_199 = tpu.vector_load %arg4[%get3A_197, %get3A_198] {strides = array<i32>} : memref<4x112xf32, #tpu.memory_space<vmem>>, vector<16xf32>,
    %get3A_200 = arith.constant 1 : i32
    %get3A_201 = arith.index_cast %get3A_200 : i32 to index
    %get3A_202 = arith.constant 96 : index
    %get3A_203 = tpu.vector_load %arg4[%get3A_201, %get3A_202] {strides = array<i32>} : memref<4x112xf32, #tpu.memory_space<vmem>>, vector<16xf32>,
    %masked_sort3A_204 = arith.constant dense<true> : vector<16xi1>
    %masked_sort3A_205, %masked_sort3A_206, %masked_sort3A_207 = tpu.sort %get3A_179, %get3A_179 masked %masked_sort3A_204 : (vector<16xf32>, vector<16xf32>, vector<16xi1>) -> (vector<16xi1>, vector<16xf32>, vector<16xf32>)
    %masked_sort3A_208 = arith.constant dense<true> : vector<16xi1>
    %masked_sort3A_209, %masked_sort3A_210, %masked_sort3A_211 = tpu.sort %get3A_183, %get3A_183 masked %masked_sort3A_208 : (vector<16xf32>, vector<16xf32>, vector<16xi1>) -> (vector<16xi1>, vector<16xf32>, vector<16xf32>)
    %rev3A_212 = arith.constant 15 : i32
    %rev3A_213 = vector.broadcast %rev3A_212 : i32 to vector<16xi32>
    %rev3A_214 = tpu.iota {dimensions = array<i32: 0>} : vector<16xi32>
    %rev3A_215 = arith.subi %rev3A_213, %rev3A_214 : vector<16xi32>
    %rev3A_216 = tpu.dynamic_gather %masked_sort3A_210[%rev3A_215] in [0] : vector<16xf32>, vector<16xi32> -> vector<16xf32>
    %max3A_217 = arith.maximumf %masked_sort3A_206, %rev3A_216 : vector<16xf32>
    %masked_sort3A_218 = arith.constant dense<true> : vector<16xi1>
    %masked_sort3A_219, %masked_sort3A_220, %masked_sort3A_221 = tpu.sort %max3A_217, %max3A_217 masked %masked_sort3A_218 : (vector<16xf32>, vector<16xf32>, vector<16xi1>) -> (vector<16xi1>, vector<16xf32>, vector<16xf32>)
    %masked_sort3A_222 = arith.constant dense<true> : vector<16xi1>
    %masked_sort3A_223, %masked_sort3A_224, %masked_sort3A_225 = tpu.sort %get3A_187, %get3A_187 masked %masked_sort3A_222 : (vector<16xf32>, vector<16xf32>, vector<16xi1>) -> (vector<16xi1>, vector<16xf32>, vector<16xf32>)
    %rev3A_226 = arith.constant 15 : i32
    %rev3A_227 = vector.broadcast %rev3A_226 : i32 to vector<16xi32>
    %rev3A_228 = tpu.iota {dimensions = array<i32: 0>} : vector<16xi32>
    %rev3A_229 = arith.subi %rev3A_227, %rev3A_228 : vector<16xi32>
    %rev3A_230 = tpu.dynamic_gather %masked_sort3A_224[%rev3A_229] in [0] : vector<16xf32>, vector<16xi32> -> vector<16xf32>
    %max3A_231 = arith.maximumf %masked_sort3A_220, %rev3A_230 : vector<16xf32>
    %masked_sort3A_232 = arith.constant dense<true> : vector<16xi1>
    %masked_sort3A_233, %masked_sort3A_234, %masked_sort3A_235 = tpu.sort %max3A_231, %max3A_231 masked %masked_sort3A_232 : (vector<16xf32>, vector<16xf32>, vector<16xi1>) -> (vector<16xi1>, vector<16xf32>, vector<16xf32>)
    %masked_sort3A_236 = arith.constant dense<true> : vector<16xi1>
    %masked_sort3A_237, %masked_sort3A_238, %masked_sort3A_239 = tpu.sort %get3A_191, %get3A_191 masked %masked_sort3A_236 : (vector<16xf32>, vector<16xf32>, vector<16xi1>) -> (vector<16xi1>, vector<16xf32>, vector<16xf32>)
    %rev3A_240 = arith.constant 15 : i32
    %rev3A_241 = vector.broadcast %rev3A_240 : i32 to vector<16xi32>
    %rev3A_242 = tpu.iota {dimensions = array<i32: 0>} : vector<16xi32>
    %rev3A_243 = arith.subi %rev3A_241, %rev3A_242 : vector<16xi32>
    %rev3A_244 = tpu.dynamic_gather %masked_sort3A_238[%rev3A_243] in [0] : vector<16xf32>, vector<16xi32> -> vector<16xf32>
    %max3A_245 = arith.maximumf %masked_sort3A_234, %rev3A_244 : vector<16xf32>
    %masked_sort3A_246 = arith.constant dense<true> : vector<16xi1>
    %masked_sort3A_247, %masked_sort3A_248, %masked_sort3A_249 = tpu.sort %max3A_245, %max3A_245 masked %masked_sort3A_246 : (vector<16xf32>, vector<16xf32>, vector<16xi1>) -> (vector<16xi1>, vector<16xf32>, vector<16xf32>)
    %masked_sort3A_250 = arith.constant dense<true> : vector<16xi1>
    %masked_sort3A_251, %masked_sort3A_252, %masked_sort3A_253 = tpu.sort %get3A_195, %get3A_195 masked %masked_sort3A_250 : (vector<16xf32>, vector<16xf32>, vector<16xi1>) -> (vector<16xi1>, vector<16xf32>, vector<16xf32>)
    %rev3A_254 = arith.constant 15 : i32
    %rev3A_255 = vector.broadcast %rev3A_254 : i32 to vector<16xi32>
    %rev3A_256 = tpu.iota {dimensions = array<i32: 0>} : vector<16xi32>
    %rev3A_257 = arith.subi %rev3A_255, %rev3A_256 : vector<16xi32>
    %rev3A_258 = tpu.dynamic_gather %masked_sort3A_252[%rev3A_257] in [0] : vector<16xf32>, vector<16xi32> -> vector<16xf32>
    %max3A_259 = arith.maximumf %masked_sort3A_248, %rev3A_258 : vector<16xf32>
    %masked_sort3A_260 = arith.constant dense<true> : vector<16xi1>
    %masked_sort3A_261, %masked_sort3A_262, %masked_sort3A_263 = tpu.sort %max3A_259, %max3A_259 masked %masked_sort3A_260 : (vector<16xf32>, vector<16xf32>, vector<16xi1>) -> (vector<16xi1>, vector<16xf32>, vector<16xf32>)
    %masked_sort3A_264 = arith.constant dense<true> : vector<16xi1>
    %masked_sort3A_265, %masked_sort3A_266, %masked_sort3A_267 = tpu.sort %get3A_199, %get3A_199 masked %masked_sort3A_264 : (vector<16xf32>, vector<16xf32>, vector<16xi1>) -> (vector<16xi1>, vector<16xf32>, vector<16xf32>)
    %rev3A_268 = arith.constant 15 : i32
    %rev3A_269 = vector.broadcast %rev3A_268 : i32 to vector<16xi32>
    %rev3A_270 = tpu.iota {dimensions = array<i32: 0>} : vector<16xi32>
    %rev3A_271 = arith.subi %rev3A_269, %rev3A_270 : vector<16xi32>
    %rev3A_272 = tpu.dynamic_gather %masked_sort3A_266[%rev3A_271] in [0] : vector<16xf32>, vector<16xi32> -> vector<16xf32>
    %max3A_273 = arith.maximumf %masked_sort3A_262, %rev3A_272 : vector<16xf32>
    %masked_sort3A_274 = arith.constant dense<true> : vector<16xi1>
    %masked_sort3A_275, %masked_sort3A_276, %masked_sort3A_277 = tpu.sort %max3A_273, %max3A_273 masked %masked_sort3A_274 : (vector<16xf32>, vector<16xf32>, vector<16xi1>) -> (vector<16xi1>, vector<16xf32>, vector<16xf32>)
    %masked_sort3A_278 = arith.constant dense<true> : vector<16xi1>
    %masked_sort3A_279, %masked_sort3A_280, %masked_sort3A_281 = tpu.sort %get3A_203, %get3A_203 masked %masked_sort3A_278 : (vector<16xf32>, vector<16xf32>, vector<16xi1>) -> (vector<16xi1>, vector<16xf32>, vector<16xf32>)
    %rev3A_282 = arith.constant 15 : i32
    %rev3A_283 = vector.broadcast %rev3A_282 : i32 to vector<16xi32>
    %rev3A_284 = tpu.iota {dimensions = array<i32: 0>} : vector<16xi32>
    %rev3A_285 = arith.subi %rev3A_283, %rev3A_284 : vector<16xi32>
    %rev3A_286 = tpu.dynamic_gather %masked_sort3A_280[%rev3A_285] in [0] : vector<16xf32>, vector<16xi32> -> vector<16xf32>
    %max3A_287 = arith.maximumf %masked_sort3A_276, %rev3A_286 : vector<16xf32>
    %masked_sort3A_288 = arith.constant dense<true> : vector<16xi1>
    %masked_sort3A_289, %masked_sort3A_290, %masked_sort3A_291 = tpu.sort %max3A_287, %max3A_287 masked %masked_sort3A_288 : (vector<16xf32>, vector<16xf32>, vector<16xi1>) -> (vector<16xi1>, vector<16xf32>, vector<16xf32>)
    %eq3A_292 = arith.constant 6 : i32
    %eq3A_293 = vector.broadcast %eq3A_292 : i32 to vector<16xi32>
    %eq3A_294 = arith.cmpi eq, %iota3A, %eq3A_293 : vector<16xi32>
    %broadcast_in_dim3A_295 = arith.constant 0.000000e+00 : f32
    %broadcast_in_dim3A_296 = vector.broadcast %broadcast_in_dim3A_295 : f32 to vector<16xf32>
    %select_n3A_297 = arith.select %eq3A_294, %masked_sort3A_290, %broadcast_in_dim3A_296 : vector<16xi1>, vector<16xf32>
    %reduce_sum3A_298 = arith.constant true
    %reduce_sum3A_299 = vector.broadcast %reduce_sum3A_298 : i1 to vector<16xi1>
    %reduce_sum3A_300 = tpu.scan <sum>, %select_n3A_297 masked %reduce_sum3A_299 : vector<16xf32>, vector<16xi1> -> vector<16xf32>
    %reduce_sum3A_301 = vector.extract %reduce_sum3A_300[15] : f32 from vector<16xf32>
    %broadcast_in_dim3A_302 = vector.broadcast %reduce_sum3A_301 : f32 to vector<16xf32>
    %ge3A_303 = arith.cmpf oge, %get3A_179, %broadcast_in_dim3A_302 : vector<16xf32>
    %broadcast_in_dim3A_304 = arith.constant 0.000000e+00 : f32
    %broadcast_in_dim3A_305 = vector.broadcast %broadcast_in_dim3A_304 : f32 to vector<16xf32>
    %select_n3A_306 = arith.select %ge3A_303, %get3A_179, %broadcast_in_dim3A_305 : vector<16xi1>, vector<16xf32>
    %swap3A_307 = arith.constant 1 : i32
    %swap3A_308 = arith.index_cast %swap3A_307 : i32 to index
    %swap3A_309 = arith.constant 0 : index
    %swap3A_310 = tpu.vector_load %arg5[%swap3A_308, %swap3A_309] {strides = array<i32>} : memref<4x112xf32, #tpu.memory_space<vmem>>, vector<16xf32>,
    tpu.vector_store %arg5[%swap3A_308, %swap3A_309], %select_n3A_306 {strides = array<i32>} : memref<4x112xf32, #tpu.memory_space<vmem>>, vector<16xf32>,
    %ge3A_311 = arith.cmpf oge, %get3A_183, %broadcast_in_dim3A_302 : vector<16xf32>
    %broadcast_in_dim3A_312 = arith.constant 0.000000e+00 : f32
    %broadcast_in_dim3A_313 = vector.broadcast %broadcast_in_dim3A_312 : f32 to vector<16xf32>
    %select_n3A_314 = arith.select %ge3A_311, %get3A_183, %broadcast_in_dim3A_313 : vector<16xi1>, vector<16xf32>
    %swap3A_315 = arith.constant 1 : i32
    %swap3A_316 = arith.index_cast %swap3A_315 : i32 to index
    %swap3A_317 = arith.constant 16 : index
    %swap3A_318 = tpu.vector_load %arg5[%swap3A_316, %swap3A_317] {strides = array<i32>} : memref<4x112xf32, #tpu.memory_space<vmem>>, vector<16xf32>,
    tpu.vector_store %arg5[%swap3A_316, %swap3A_317], %select_n3A_314 {strides = array<i32>} : memref<4x112xf32, #tpu.memory_space<vmem>>, vector<16xf32>,
    %ge3A_319 = arith.cmpf oge, %get3A_187, %broadcast_in_dim3A_302 : vector<16xf32>
    %broadcast_in_dim3A_320 = arith.constant 0.000000e+00 : f32
    %broadcast_in_dim3A_321 = vector.broadcast %broadcast_in_dim3A_320 : f32 to vector<16xf32>
    %select_n3A_322 = arith.select %ge3A_319, %get3A_187, %broadcast_in_dim3A_321 : vector<16xi1>, vector<16xf32>
    %swap3A_323 = arith.constant 1 : i32
    %swap3A_324 = arith.index_cast %swap3A_323 : i32 to index
    %swap3A_325 = arith.constant 32 : index
    %swap3A_326 = tpu.vector_load %arg5[%swap3A_324, %swap3A_325] {strides = array<i32>} : memref<4x112xf32, #tpu.memory_space<vmem>>, vector<16xf32>,
    tpu.vector_store %arg5[%swap3A_324, %swap3A_325], %select_n3A_322 {strides = array<i32>} : memref<4x112xf32, #tpu.memory_space<vmem>>, vector<16xf32>,
    %ge3A_327 = arith.cmpf oge, %get3A_191, %broadcast_in_dim3A_302 : vector<16xf32>
    %broadcast_in_dim3A_328 = arith.constant 0.000000e+00 : f32
    %broadcast_in_dim3A_329 = vector.broadcast %broadcast_in_dim3A_328 : f32 to vector<16xf32>
    %select_n3A_330 = arith.select %ge3A_327, %get3A_191, %broadcast_in_dim3A_329 : vector<16xi1>, vector<16xf32>
    %swap3A_331 = arith.constant 1 : i32
    %swap3A_332 = arith.index_cast %swap3A_331 : i32 to index
    %swap3A_333 = arith.constant 48 : index
    %swap3A_334 = tpu.vector_load %arg5[%swap3A_332, %swap3A_333] {strides = array<i32>} : memref<4x112xf32, #tpu.memory_space<vmem>>, vector<16xf32>,
    tpu.vector_store %arg5[%swap3A_332, %swap3A_333], %select_n3A_330 {strides = array<i32>} : memref<4x112xf32, #tpu.memory_space<vmem>>, vector<16xf32>,
    %ge3A_335 = arith.cmpf oge, %get3A_195, %broadcast_in_dim3A_302 : vector<16xf32>
    %broadcast_in_dim3A_336 = arith.constant 0.000000e+00 : f32
    %broadcast_in_dim3A_337 = vector.broadcast %broadcast_in_dim3A_336 : f32 to vector<16xf32>
    %select_n3A_338 = arith.select %ge3A_335, %get3A_195, %broadcast_in_dim3A_337 : vector<16xi1>, vector<16xf32>
    %swap3A_339 = arith.constant 1 : i32
    %swap3A_340 = arith.index_cast %swap3A_339 : i32 to index
    %swap3A_341 = arith.constant 64 : index
    %swap3A_342 = tpu.vector_load %arg5[%swap3A_340, %swap3A_341] {strides = array<i32>} : memref<4x112xf32, #tpu.memory_space<vmem>>, vector<16xf32>,
    tpu.vector_store %arg5[%swap3A_340, %swap3A_341], %select_n3A_338 {strides = array<i32>} : memref<4x112xf32, #tpu.memory_space<vmem>>, vector<16xf32>,
    %ge3A_343 = arith.cmpf oge, %get3A_199, %broadcast_in_dim3A_302 : vector<16xf32>
    %broadcast_in_dim3A_344 = arith.constant 0.000000e+00 : f32
    %broadcast_in_dim3A_345 = vector.broadcast %broadcast_in_dim3A_344 : f32 to vector<16xf32>
    %select_n3A_346 = arith.select %ge3A_343, %get3A_199, %broadcast_in_dim3A_345 : vector<16xi1>, vector<16xf32>
    %swap3A_347 = arith.constant 1 : i32
    %swap3A_348 = arith.index_cast %swap3A_347 : i32 to index
    %swap3A_349 = arith.constant 80 : index
    %swap3A_350 = tpu.vector_load %arg5[%swap3A_348, %swap3A_349] {strides = array<i32>} : memref<4x112xf32, #tpu.memory_space<vmem>>, vector<16xf32>,
    tpu.vector_store %arg5[%swap3A_348, %swap3A_349], %select_n3A_346 {strides = array<i32>} : memref<4x112xf32, #tpu.memory_space<vmem>>, vector<16xf32>,
    %ge3A_351 = arith.cmpf oge, %get3A_203, %broadcast_in_dim3A_302 : vector<16xf32>
    %broadcast_in_dim3A_352 = arith.constant 0.000000e+00 : f32
    %broadcast_in_dim3A_353 = vector.broadcast %broadcast_in_dim3A_352 : f32 to vector<16xf32>
    %select_n3A_354 = arith.select %ge3A_351, %get3A_203, %broadcast_in_dim3A_353 : vector<16xi1>, vector<16xf32>
    %swap3A_355 = arith.constant 1 : i32
    %swap3A_356 = arith.index_cast %swap3A_355 : i32 to index
    %swap3A_357 = arith.constant 96 : index
    %swap3A_358 = tpu.vector_load %arg5[%swap3A_356, %swap3A_357] {strides = array<i32>} : memref<4x112xf32, #tpu.memory_space<vmem>>, vector<16xf32>,
    tpu.vector_store %arg5[%swap3A_356, %swap3A_357], %select_n3A_354 {strides = array<i32>} : memref<4x112xf32, #tpu.memory_space<vmem>>, vector<16xf32>,
    %get3A_359 = arith.constant 2 : i32
    %get3A_360 = arith.index_cast %get3A_359 : i32 to index
    %get3A_361 = arith.constant 0 : index
    %get3A_362 = tpu.vector_load %arg4[%get3A_360, %get3A_361] {strides = array<i32>} : memref<4x112xf32, #tpu.memory_space<vmem>>, vector<16xf32>,
    %get3A_363 = arith.constant 2 : i32
    %get3A_364 = arith.index_cast %get3A_363 : i32 to index
    %get3A_365 = arith.constant 16 : index
    %get3A_366 = tpu.vector_load %arg4[%get3A_364, %get3A_365] {strides = array<i32>} : memref<4x112xf32, #tpu.memory_space<vmem>>, vector<16xf32>,
    %get3A_367 = arith.constant 2 : i32
    %get3A_368 = arith.index_cast %get3A_367 : i32 to index
    %get3A_369 = arith.constant 32 : index
    %get3A_370 = tpu.vector_load %arg4[%get3A_368, %get3A_369] {strides = array<i32>} : memref<4x112xf32, #tpu.memory_space<vmem>>, vector<16xf32>,
    %get3A_371 = arith.constant 2 : i32
    %get3A_372 = arith.index_cast %get3A_371 : i32 to index
    %get3A_373 = arith.constant 48 : index
    %get3A_374 = tpu.vector_load %arg4[%get3A_372, %get3A_373] {strides = array<i32>} : memref<4x112xf32, #tpu.memory_space<vmem>>, vector<16xf32>,
    %get3A_375 = arith.constant 2 : i32
    %get3A_376 = arith.index_cast %get3A_375 : i32 to index
    %get3A_377 = arith.constant 64 : index
    %get3A_378 = tpu.vector_load %arg4[%get3A_376, %get3A_377] {strides = array<i32>} : memref<4x112xf32, #tpu.memory_space<vmem>>, vector<16xf32>,
    %get3A_379 = arith.constant 2 : i32
    %get3A_380 = arith.index_cast %get3A_379 : i32 to index
    %get3A_381 = arith.constant 80 : index
    %get3A_382 = tpu.vector_load %arg4[%get3A_380, %get3A_381] {strides = array<i32>} : memref<4x112xf32, #tpu.memory_space<vmem>>, vector<16xf32>,
    %get3A_383 = arith.constant 2 : i32
    %get3A_384 = arith.index_cast %get3A_383 : i32 to index
    %get3A_385 = arith.constant 96 : index
    %get3A_386 = tpu.vector_load %arg4[%get3A_384, %get3A_385] {strides = array<i32>} : memref<4x112xf32, #tpu.memory_space<vmem>>, vector<16xf32>,
    %masked_sort3A_387 = arith.constant dense<true> : vector<16xi1>
    %masked_sort3A_388, %masked_sort3A_389, %masked_sort3A_390 = tpu.sort %get3A_362, %get3A_362 masked %masked_sort3A_387 : (vector<16xf32>, vector<16xf32>, vector<16xi1>) -> (vector<16xi1>, vector<16xf32>, vector<16xf32>)
    %masked_sort3A_391 = arith.constant dense<true> : vector<16xi1>
    %masked_sort3A_392, %masked_sort3A_393, %masked_sort3A_394 = tpu.sort %get3A_366, %get3A_366 masked %masked_sort3A_391 : (vector<16xf32>, vector<16xf32>, vector<16xi1>) -> (vector<16xi1>, vector<16xf32>, vector<16xf32>)
    %rev3A_395 = arith.constant 15 : i32
    %rev3A_396 = vector.broadcast %rev3A_395 : i32 to vector<16xi32>
    %rev3A_397 = tpu.iota {dimensions = array<i32: 0>} : vector<16xi32>
    %rev3A_398 = arith.subi %rev3A_396, %rev3A_397 : vector<16xi32>
    %rev3A_399 = tpu.dynamic_gather %masked_sort3A_393[%rev3A_398] in [0] : vector<16xf32>, vector<16xi32> -> vector<16xf32>
    %max3A_400 = arith.maximumf %masked_sort3A_389, %rev3A_399 : vector<16xf32>
    %masked_sort3A_401 = arith.constant dense<true> : vector<16xi1>
    %masked_sort3A_402, %masked_sort3A_403, %masked_sort3A_404 = tpu.sort %max3A_400, %max3A_400 masked %masked_sort3A_401 : (vector<16xf32>, vector<16xf32>, vector<16xi1>) -> (vector<16xi1>, vector<16xf32>, vector<16xf32>)
    %masked_sort3A_405 = arith.constant dense<true> : vector<16xi1>
    %masked_sort3A_406, %masked_sort3A_407, %masked_sort3A_408 = tpu.sort %get3A_370, %get3A_370 masked %masked_sort3A_405 : (vector<16xf32>, vector<16xf32>, vector<16xi1>) -> (vector<16xi1>, vector<16xf32>, vector<16xf32>)
    %rev3A_409 = arith.constant 15 : i32
    %rev3A_410 = vector.broadcast %rev3A_409 : i32 to vector<16xi32>
    %rev3A_411 = tpu.iota {dimensions = array<i32: 0>} : vector<16xi32>
    %rev3A_412 = arith.subi %rev3A_410, %rev3A_411 : vector<16xi32>
    %rev3A_413 = tpu.dynamic_gather %masked_sort3A_407[%rev3A_412] in [0] : vector<16xf32>, vector<16xi32> -> vector<16xf32>
    %max3A_414 = arith.maximumf %masked_sort3A_403, %rev3A_413 : vector<16xf32>
    %masked_sort3A_415 = arith.constant dense<true> : vector<16xi1>
    %masked_sort3A_416, %masked_sort3A_417, %masked_sort3A_418 = tpu.sort %max3A_414, %max3A_414 masked %masked_sort3A_415 : (vector<16xf32>, vector<16xf32>, vector<16xi1>) -> (vector<16xi1>, vector<16xf32>, vector<16xf32>)
    %masked_sort3A_419 = arith.constant dense<true> : vector<16xi1>
    %masked_sort3A_420, %masked_sort3A_421, %masked_sort3A_422 = tpu.sort %get3A_374, %get3A_374 masked %masked_sort3A_419 : (vector<16xf32>, vector<16xf32>, vector<16xi1>) -> (vector<16xi1>, vector<16xf32>, vector<16xf32>)
    %rev3A_423 = arith.constant 15 : i32
    %rev3A_424 = vector.broadcast %rev3A_423 : i32 to vector<16xi32>
    %rev3A_425 = tpu.iota {dimensions = array<i32: 0>} : vector<16xi32>
    %rev3A_426 = arith.subi %rev3A_424, %rev3A_425 : vector<16xi32>
    %rev3A_427 = tpu.dynamic_gather %masked_sort3A_421[%rev3A_426] in [0] : vector<16xf32>, vector<16xi32> -> vector<16xf32>
    %max3A_428 = arith.maximumf %masked_sort3A_417, %rev3A_427 : vector<16xf32>
    %masked_sort3A_429 = arith.constant dense<true> : vector<16xi1>
    %masked_sort3A_430, %masked_sort3A_431, %masked_sort3A_432 = tpu.sort %max3A_428, %max3A_428 masked %masked_sort3A_429 : (vector<16xf32>, vector<16xf32>, vector<16xi1>) -> (vector<16xi1>, vector<16xf32>, vector<16xf32>)
    %masked_sort3A_433 = arith.constant dense<true> : vector<16xi1>
    %masked_sort3A_434, %masked_sort3A_435, %masked_sort3A_436 = tpu.sort %get3A_378, %get3A_378 masked %masked_sort3A_433 : (vector<16xf32>, vector<16xf32>, vector<16xi1>) -> (vector<16xi1>, vector<16xf32>, vector<16xf32>)
    %rev3A_437 = arith.constant 15 : i32
    %rev3A_438 = vector.broadcast %rev3A_437 : i32 to vector<16xi32>
    %rev3A_439 = tpu.iota {dimensions = array<i32: 0>} : vector<16xi32>
    %rev3A_440 = arith.subi %rev3A_438, %rev3A_439 : vector<16xi32>
    %rev3A_441 = tpu.dynamic_gather %masked_sort3A_435[%rev3A_440] in [0] : vector<16xf32>, vector<16xi32> -> vector<16xf32>
    %max3A_442 = arith.maximumf %masked_sort3A_431, %rev3A_441 : vector<16xf32>
    %masked_sort3A_443 = arith.constant dense<true> : vector<16xi1>
    %masked_sort3A_444, %masked_sort3A_445, %masked_sort3A_446 = tpu.sort %max3A_442, %max3A_442 masked %masked_sort3A_443 : (vector<16xf32>, vector<16xf32>, vector<16xi1>) -> (vector<16xi1>, vector<16xf32>, vector<16xf32>)
    %masked_sort3A_447 = arith.constant dense<true> : vector<16xi1>
    %masked_sort3A_448, %masked_sort3A_449, %masked_sort3A_450 = tpu.sort %get3A_382, %get3A_382 masked %masked_sort3A_447 : (vector<16xf32>, vector<16xf32>, vector<16xi1>) -> (vector<16xi1>, vector<16xf32>, vector<16xf32>)
    %rev3A_451 = arith.constant 15 : i32
    %rev3A_452 = vector.broadcast %rev3A_451 : i32 to vector<16xi32>
    %rev3A_453 = tpu.iota {dimensions = array<i32: 0>} : vector<16xi32>
    %rev3A_454 = arith.subi %rev3A_452, %rev3A_453 : vector<16xi32>
    %rev3A_455 = tpu.dynamic_gather %masked_sort3A_449[%rev3A_454] in [0] : vector<16xf32>, vector<16xi32> -> vector<16xf32>
    %max3A_456 = arith.maximumf %masked_sort3A_445, %rev3A_455 : vector<16xf32>
    %masked_sort3A_457 = arith.constant dense<true> : vector<16xi1>
    %masked_sort3A_458, %masked_sort3A_459, %masked_sort3A_460 = tpu.sort %max3A_456, %max3A_456 masked %masked_sort3A_457 : (vector<16xf32>, vector<16xf32>, vector<16xi1>) -> (vector<16xi1>, vector<16xf32>, vector<16xf32>)
    %masked_sort3A_461 = arith.constant dense<true> : vector<16xi1>
    %masked_sort3A_462, %masked_sort3A_463, %masked_sort3A_464 = tpu.sort %get3A_386, %get3A_386 masked %masked_sort3A_461 : (vector<16xf32>, vector<16xf32>, vector<16xi1>) -> (vector<16xi1>, vector<16xf32>, vector<16xf32>)
    %rev3A_465 = arith.constant 15 : i32
    %rev3A_466 = vector.broadcast %rev3A_465 : i32 to vector<16xi32>
    %rev3A_467 = tpu.iota {dimensions = array<i32: 0>} : vector<16xi32>
    %rev3A_468 = arith.subi %rev3A_466, %rev3A_467 : vector<16xi32>
    %rev3A_469 = tpu.dynamic_gather %masked_sort3A_463[%rev3A_468] in [0] : vector<16xf32>, vector<16xi32> -> vector<16xf32>
    %max3A_470 = arith.maximumf %masked_sort3A_459, %rev3A_469 : vector<16xf32>
    %masked_sort3A_471 = arith.constant dense<true> : vector<16xi1>
    %masked_sort3A_472, %masked_sort3A_473, %masked_sort3A_474 = tpu.sort %max3A_470, %max3A_470 masked %masked_sort3A_471 : (vector<16xf32>, vector<16xf32>, vector<16xi1>) -> (vector<16xi1>, vector<16xf32>, vector<16xf32>)
    %eq3A_475 = arith.constant 6 : i32
    %eq3A_476 = vector.broadcast %eq3A_475 : i32 to vector<16xi32>
    %eq3A_477 = arith.cmpi eq, %iota3A, %eq3A_476 : vector<16xi32>
    %broadcast_in_dim3A_478 = arith.constant 0.000000e+00 : f32
    %broadcast_in_dim3A_479 = vector.broadcast %broadcast_in_dim3A_478 : f32 to vector<16xf32>
    %select_n3A_480 = arith.select %eq3A_477, %masked_sort3A_473, %broadcast_in_dim3A_479 : vector<16xi1>, vector<16xf32>
    %reduce_sum3A_481 = arith.constant true
    %reduce_sum3A_482 = vector.broadcast %reduce_sum3A_481 : i1 to vector<16xi1>
    %reduce_sum3A_483 = tpu.scan <sum>, %select_n3A_480 masked %reduce_sum3A_482 : vector<16xf32>, vector<16xi1> -> vector<16xf32>
    %reduce_sum3A_484 = vector.extract %reduce_sum3A_483[15] : f32 from vector<16xf32>
    %broadcast_in_dim3A_485 = vector.broadcast %reduce_sum3A_484 : f32 to vector<16xf32>
    %ge3A_486 = arith.cmpf oge, %get3A_362, %broadcast_in_dim3A_485 : vector<16xf32>
    %broadcast_in_dim3A_487 = arith.constant 0.000000e+00 : f32
    %broadcast_in_dim3A_488 = vector.broadcast %broadcast_in_dim3A_487 : f32 to vector<16xf32>
    %select_n3A_489 = arith.select %ge3A_486, %get3A_362, %broadcast_in_dim3A_488 : vector<16xi1>, vector<16xf32>
    %swap3A_490 = arith.constant 2 : i32
    %swap3A_491 = arith.index_cast %swap3A_490 : i32 to index
    %swap3A_492 = arith.constant 0 : index
    %swap3A_493 = tpu.vector_load %arg5[%swap3A_491, %swap3A_492] {strides = array<i32>} : memref<4x112xf32, #tpu.memory_space<vmem>>, vector<16xf32>,
    tpu.vector_store %arg5[%swap3A_491, %swap3A_492], %select_n3A_489 {strides = array<i32>} : memref<4x112xf32, #tpu.memory_space<vmem>>, vector<16xf32>,
    %ge3A_494 = arith.cmpf oge, %get3A_366, %broadcast_in_dim3A_485 : vector<16xf32>
    %broadcast_in_dim3A_495 = arith.constant 0.000000e+00 : f32
    %broadcast_in_dim3A_496 = vector.broadcast %broadcast_in_dim3A_495 : f32 to vector<16xf32>
    %select_n3A_497 = arith.select %ge3A_494, %get3A_366, %broadcast_in_dim3A_496 : vector<16xi1>, vector<16xf32>
    %swap3A_498 = arith.constant 2 : i32
    %swap3A_499 = arith.index_cast %swap3A_498 : i32 to index
    %swap3A_500 = arith.constant 16 : index
    %swap3A_501 = tpu.vector_load %arg5[%swap3A_499, %swap3A_500] {strides = array<i32>} : memref<4x112xf32, #tpu.memory_space<vmem>>, vector<16xf32>,
    tpu.vector_store %arg5[%swap3A_499, %swap3A_500], %select_n3A_497 {strides = array<i32>} : memref<4x112xf32, #tpu.memory_space<vmem>>, vector<16xf32>,
    %ge3A_502 = arith.cmpf oge, %get3A_370, %broadcast_in_dim3A_485 : vector<16xf32>
    %broadcast_in_dim3A_503 = arith.constant 0.000000e+00 : f32
    %broadcast_in_dim3A_504 = vector.broadcast %broadcast_in_dim3A_503 : f32 to vector<16xf32>
    %select_n3A_505 = arith.select %ge3A_502, %get3A_370, %broadcast_in_dim3A_504 : vector<16xi1>, vector<16xf32>
    %swap3A_506 = arith.constant 2 : i32
    %swap3A_507 = arith.index_cast %swap3A_506 : i32 to index
    %swap3A_508 = arith.constant 32 : index
    %swap3A_509 = tpu.vector_load %arg5[%swap3A_507, %swap3A_508] {strides = array<i32>} : memref<4x112xf32, #tpu.memory_space<vmem>>, vector<16xf32>,
    tpu.vector_store %arg5[%swap3A_507, %swap3A_508], %select_n3A_505 {strides = array<i32>} : memref<4x112xf32, #tpu.memory_space<vmem>>, vector<16xf32>,
    %ge3A_510 = arith.cmpf oge, %get3A_374, %broadcast_in_dim3A_485 : vector<16xf32>
    %broadcast_in_dim3A_511 = arith.constant 0.000000e+00 : f32
    %broadcast_in_dim3A_512 = vector.broadcast %broadcast_in_dim3A_511 : f32 to vector<16xf32>
    %select_n3A_513 = arith.select %ge3A_510, %get3A_374, %broadcast_in_dim3A_512 : vector<16xi1>, vector<16xf32>
    %swap3A_514 = arith.constant 2 : i32
    %swap3A_515 = arith.index_cast %swap3A_514 : i32 to index
    %swap3A_516 = arith.constant 48 : index
    %swap3A_517 = tpu.vector_load %arg5[%swap3A_515, %swap3A_516] {strides = array<i32>} : memref<4x112xf32, #tpu.memory_space<vmem>>, vector<16xf32>,
    tpu.vector_store %arg5[%swap3A_515, %swap3A_516], %select_n3A_513 {strides = array<i32>} : memref<4x112xf32, #tpu.memory_space<vmem>>, vector<16xf32>,
    %ge3A_518 = arith.cmpf oge, %get3A_378, %broadcast_in_dim3A_485 : vector<16xf32>
    %broadcast_in_dim3A_519 = arith.constant 0.000000e+00 : f32
    %broadcast_in_dim3A_520 = vector.broadcast %broadcast_in_dim3A_519 : f32 to vector<16xf32>
    %select_n3A_521 = arith.select %ge3A_518, %get3A_378, %broadcast_in_dim3A_520 : vector<16xi1>, vector<16xf32>
    %swap3A_522 = arith.constant 2 : i32
    %swap3A_523 = arith.index_cast %swap3A_522 : i32 to index
    %swap3A_524 = arith.constant 64 : index
    %swap3A_525 = tpu.vector_load %arg5[%swap3A_523, %swap3A_524] {strides = array<i32>} : memref<4x112xf32, #tpu.memory_space<vmem>>, vector<16xf32>,
    tpu.vector_store %arg5[%swap3A_523, %swap3A_524], %select_n3A_521 {strides = array<i32>} : memref<4x112xf32, #tpu.memory_space<vmem>>, vector<16xf32>,
    %ge3A_526 = arith.cmpf oge, %get3A_382, %broadcast_in_dim3A_485 : vector<16xf32>
    %broadcast_in_dim3A_527 = arith.constant 0.000000e+00 : f32
    %broadcast_in_dim3A_528 = vector.broadcast %broadcast_in_dim3A_527 : f32 to vector<16xf32>
    %select_n3A_529 = arith.select %ge3A_526, %get3A_382, %broadcast_in_dim3A_528 : vector<16xi1>, vector<16xf32>
    %swap3A_530 = arith.constant 2 : i32
    %swap3A_531 = arith.index_cast %swap3A_530 : i32 to index
    %swap3A_532 = arith.constant 80 : index
    %swap3A_533 = tpu.vector_load %arg5[%swap3A_531, %swap3A_532] {strides = array<i32>} : memref<4x112xf32, #tpu.memory_space<vmem>>, vector<16xf32>,
    tpu.vector_store %arg5[%swap3A_531, %swap3A_532], %select_n3A_529 {strides = array<i32>} : memref<4x112xf32, #tpu.memory_space<vmem>>, vector<16xf32>,
    %ge3A_534 = arith.cmpf oge, %get3A_386, %broadcast_in_dim3A_485 : vector<16xf32>
    %broadcast_in_dim3A_535 = arith.constant 0.000000e+00 : f32
    %broadcast_in_dim3A_536 = vector.broadcast %broadcast_in_dim3A_535 : f32 to vector<16xf32>
    %select_n3A_537 = arith.select %ge3A_534, %get3A_386, %broadcast_in_dim3A_536 : vector<16xi1>, vector<16xf32>
    %swap3A_538 = arith.constant 2 : i32
    %swap3A_539 = arith.index_cast %swap3A_538 : i32 to index
    %swap3A_540 = arith.constant 96 : index
    %swap3A_541 = tpu.vector_load %arg5[%swap3A_539, %swap3A_540] {strides = array<i32>} : memref<4x112xf32, #tpu.memory_space<vmem>>, vector<16xf32>,
    tpu.vector_store %arg5[%swap3A_539, %swap3A_540], %select_n3A_537 {strides = array<i32>} : memref<4x112xf32, #tpu.memory_space<vmem>>, vector<16xf32>,
    %get3A_542 = arith.constant 3 : i32
    %get3A_543 = arith.index_cast %get3A_542 : i32 to index
    %get3A_544 = arith.constant 0 : index
    %get3A_545 = tpu.vector_load %arg4[%get3A_543, %get3A_544] {strides = array<i32>} : memref<4x112xf32, #tpu.memory_space<vmem>>, vector<16xf32>,
    %get3A_546 = arith.constant 3 : i32
    %get3A_547 = arith.index_cast %get3A_546 : i32 to index
    %get3A_548 = arith.constant 16 : index
    %get3A_549 = tpu.vector_load %arg4[%get3A_547, %get3A_548] {strides = array<i32>} : memref<4x112xf32, #tpu.memory_space<vmem>>, vector<16xf32>,
    %get3A_550 = arith.constant 3 : i32
    %get3A_551 = arith.index_cast %get3A_550 : i32 to index
    %get3A_552 = arith.constant 32 : index
    %get3A_553 = tpu.vector_load %arg4[%get3A_551, %get3A_552] {strides = array<i32>} : memref<4x112xf32, #tpu.memory_space<vmem>>, vector<16xf32>,
    %get3A_554 = arith.constant 3 : i32
    %get3A_555 = arith.index_cast %get3A_554 : i32 to index
    %get3A_556 = arith.constant 48 : index
    %get3A_557 = tpu.vector_load %arg4[%get3A_555, %get3A_556] {strides = array<i32>} : memref<4x112xf32, #tpu.memory_space<vmem>>, vector<16xf32>,
    %get3A_558 = arith.constant 3 : i32
    %get3A_559 = arith.index_cast %get3A_558 : i32 to index
    %get3A_560 = arith.constant 64 : index
    %get3A_561 = tpu.vector_load %arg4[%get3A_559, %get3A_560] {strides = array<i32>} : memref<4x112xf32, #tpu.memory_space<vmem>>, vector<16xf32>,
    %get3A_562 = arith.constant 3 : i32
    %get3A_563 = arith.index_cast %get3A_562 : i32 to index
    %get3A_564 = arith.constant 80 : index
    %get3A_565 = tpu.vector_load %arg4[%get3A_563, %get3A_564] {strides = array<i32>} : memref<4x112xf32, #tpu.memory_space<vmem>>, vector<16xf32>,
    %get3A_566 = arith.constant 3 : i32
    %get3A_567 = arith.index_cast %get3A_566 : i32 to index
    %get3A_568 = arith.constant 96 : index
    %get3A_569 = tpu.vector_load %arg4[%get3A_567, %get3A_568] {strides = array<i32>} : memref<4x112xf32, #tpu.memory_space<vmem>>, vector<16xf32>,
    %masked_sort3A_570 = arith.constant dense<true> : vector<16xi1>
    %masked_sort3A_571, %masked_sort3A_572, %masked_sort3A_573 = tpu.sort %get3A_545, %get3A_545 masked %masked_sort3A_570 : (vector<16xf32>, vector<16xf32>, vector<16xi1>) -> (vector<16xi1>, vector<16xf32>, vector<16xf32>)
    %masked_sort3A_574 = arith.constant dense<true> : vector<16xi1>
    %masked_sort3A_575, %masked_sort3A_576, %masked_sort3A_577 = tpu.sort %get3A_549, %get3A_549 masked %masked_sort3A_574 : (vector<16xf32>, vector<16xf32>, vector<16xi1>) -> (vector<16xi1>, vector<16xf32>, vector<16xf32>)
    %rev3A_578 = arith.constant 15 : i32
    %rev3A_579 = vector.broadcast %rev3A_578 : i32 to vector<16xi32>
    %rev3A_580 = tpu.iota {dimensions = array<i32: 0>} : vector<16xi32>
    %rev3A_581 = arith.subi %rev3A_579, %rev3A_580 : vector<16xi32>
    %rev3A_582 = tpu.dynamic_gather %masked_sort3A_576[%rev3A_581] in [0] : vector<16xf32>, vector<16xi32> -> vector<16xf32>
    %max3A_583 = arith.maximumf %masked_sort3A_572, %rev3A_582 : vector<16xf32>
    %masked_sort3A_584 = arith.constant dense<true> : vector<16xi1>
    %masked_sort3A_585, %masked_sort3A_586, %masked_sort3A_587 = tpu.sort %max3A_583, %max3A_583 masked %masked_sort3A_584 : (vector<16xf32>, vector<16xf32>, vector<16xi1>) -> (vector<16xi1>, vector<16xf32>, vector<16xf32>)
    %masked_sort3A_588 = arith.constant dense<true> : vector<16xi1>
    %masked_sort3A_589, %masked_sort3A_590, %masked_sort3A_591 = tpu.sort %get3A_553, %get3A_553 masked %masked_sort3A_588 : (vector<16xf32>, vector<16xf32>, vector<16xi1>) -> (vector<16xi1>, vector<16xf32>, vector<16xf32>)
    %rev3A_592 = arith.constant 15 : i32
    %rev3A_593 = vector.broadcast %rev3A_592 : i32 to vector<16xi32>
    %rev3A_594 = tpu.iota {dimensions = array<i32: 0>} : vector<16xi32>
    %rev3A_595 = arith.subi %rev3A_593, %rev3A_594 : vector<16xi32>
    %rev3A_596 = tpu.dynamic_gather %masked_sort3A_590[%rev3A_595] in [0] : vector<16xf32>, vector<16xi32> -> vector<16xf32>
    %max3A_597 = arith.maximumf %masked_sort3A_586, %rev3A_596 : vector<16xf32>
    %masked_sort3A_598 = arith.constant dense<true> : vector<16xi1>
    %masked_sort3A_599, %masked_sort3A_600, %masked_sort3A_601 = tpu.sort %max3A_597, %max3A_597 masked %masked_sort3A_598 : (vector<16xf32>, vector<16xf32>, vector<16xi1>) -> (vector<16xi1>, vector<16xf32>, vector<16xf32>)
    %masked_sort3A_602 = arith.constant dense<true> : vector<16xi1>
    %masked_sort3A_603, %masked_sort3A_604, %masked_sort3A_605 = tpu.sort %get3A_557, %get3A_557 masked %masked_sort3A_602 : (vector<16xf32>, vector<16xf32>, vector<16xi1>) -> (vector<16xi1>, vector<16xf32>, vector<16xf32>)
    %rev3A_606 = arith.constant 15 : i32
    %rev3A_607 = vector.broadcast %rev3A_606 : i32 to vector<16xi32>
    %rev3A_608 = tpu.iota {dimensions = array<i32: 0>} : vector<16xi32>
    %rev3A_609 = arith.subi %rev3A_607, %rev3A_608 : vector<16xi32>
    %rev3A_610 = tpu.dynamic_gather %masked_sort3A_604[%rev3A_609] in [0] : vector<16xf32>, vector<16xi32> -> vector<16xf32>
    %max3A_611 = arith.maximumf %masked_sort3A_600, %rev3A_610 : vector<16xf32>
    %masked_sort3A_612 = arith.constant dense<true> : vector<16xi1>
    %masked_sort3A_613, %masked_sort3A_614, %masked_sort3A_615 = tpu.sort %max3A_611, %max3A_611 masked %masked_sort3A_612 : (vector<16xf32>, vector<16xf32>, vector<16xi1>) -> (vector<16xi1>, vector<16xf32>, vector<16xf32>)
    %masked_sort3A_616 = arith.constant dense<true> : vector<16xi1>
    %masked_sort3A_617, %masked_sort3A_618, %masked_sort3A_619 = tpu.sort %get3A_561, %get3A_561 masked %masked_sort3A_616 : (vector<16xf32>, vector<16xf32>, vector<16xi1>) -> (vector<16xi1>, vector<16xf32>, vector<16xf32>)
    %rev3A_620 = arith.constant 15 : i32
    %rev3A_621 = vector.broadcast %rev3A_620 : i32 to vector<16xi32>
    %rev3A_622 = tpu.iota {dimensions = array<i32: 0>} : vector<16xi32>
    %rev3A_623 = arith.subi %rev3A_621, %rev3A_622 : vector<16xi32>
    %rev3A_624 = tpu.dynamic_gather %masked_sort3A_618[%rev3A_623] in [0] : vector<16xf32>, vector<16xi32> -> vector<16xf32>
    %max3A_625 = arith.maximumf %masked_sort3A_614, %rev3A_624 : vector<16xf32>
    %masked_sort3A_626 = arith.constant dense<true> : vector<16xi1>
    %masked_sort3A_627, %masked_sort3A_628, %masked_sort3A_629 = tpu.sort %max3A_625, %max3A_625 masked %masked_sort3A_626 : (vector<16xf32>, vector<16xf32>, vector<16xi1>) -> (vector<16xi1>, vector<16xf32>, vector<16xf32>)
    %masked_sort3A_630 = arith.constant dense<true> : vector<16xi1>
    %masked_sort3A_631, %masked_sort3A_632, %masked_sort3A_633 = tpu.sort %get3A_565, %get3A_565 masked %masked_sort3A_630 : (vector<16xf32>, vector<16xf32>, vector<16xi1>) -> (vector<16xi1>, vector<16xf32>, vector<16xf32>)
    %rev3A_634 = arith.constant 15 : i32
    %rev3A_635 = vector.broadcast %rev3A_634 : i32 to vector<16xi32>
    %rev3A_636 = tpu.iota {dimensions = array<i32: 0>} : vector<16xi32>
    %rev3A_637 = arith.subi %rev3A_635, %rev3A_636 : vector<16xi32>
    %rev3A_638 = tpu.dynamic_gather %masked_sort3A_632[%rev3A_637] in [0] : vector<16xf32>, vector<16xi32> -> vector<16xf32>
    %max3A_639 = arith.maximumf %masked_sort3A_628, %rev3A_638 : vector<16xf32>
    %masked_sort3A_640 = arith.constant dense<true> : vector<16xi1>
    %masked_sort3A_641, %masked_sort3A_642, %masked_sort3A_643 = tpu.sort %max3A_639, %max3A_639 masked %masked_sort3A_640 : (vector<16xf32>, vector<16xf32>, vector<16xi1>) -> (vector<16xi1>, vector<16xf32>, vector<16xf32>)
    %masked_sort3A_644 = arith.constant dense<true> : vector<16xi1>
    %masked_sort3A_645, %masked_sort3A_646, %masked_sort3A_647 = tpu.sort %get3A_569, %get3A_569 masked %masked_sort3A_644 : (vector<16xf32>, vector<16xf32>, vector<16xi1>) -> (vector<16xi1>, vector<16xf32>, vector<16xf32>)
    %rev3A_648 = arith.constant 15 : i32
    %rev3A_649 = vector.broadcast %rev3A_648 : i32 to vector<16xi32>
    %rev3A_650 = tpu.iota {dimensions = array<i32: 0>} : vector<16xi32>
    %rev3A_651 = arith.subi %rev3A_649, %rev3A_650 : vector<16xi32>
    %rev3A_652 = tpu.dynamic_gather %masked_sort3A_646[%rev3A_651] in [0] : vector<16xf32>, vector<16xi32> -> vector<16xf32>
    %max3A_653 = arith.maximumf %masked_sort3A_642, %rev3A_652 : vector<16xf32>
    %masked_sort3A_654 = arith.constant dense<true> : vector<16xi1>
    %masked_sort3A_655, %masked_sort3A_656, %masked_sort3A_657 = tpu.sort %max3A_653, %max3A_653 masked %masked_sort3A_654 : (vector<16xf32>, vector<16xf32>, vector<16xi1>) -> (vector<16xi1>, vector<16xf32>, vector<16xf32>)
    %eq3A_658 = arith.constant 6 : i32
    %eq3A_659 = vector.broadcast %eq3A_658 : i32 to vector<16xi32>
    %eq3A_660 = arith.cmpi eq, %iota3A, %eq3A_659 : vector<16xi32>
    %broadcast_in_dim3A_661 = arith.constant 0.000000e+00 : f32
    %broadcast_in_dim3A_662 = vector.broadcast %broadcast_in_dim3A_661 : f32 to vector<16xf32>
    %select_n3A_663 = arith.select %eq3A_660, %masked_sort3A_656, %broadcast_in_dim3A_662 : vector<16xi1>, vector<16xf32>
    %reduce_sum3A_664 = arith.constant true
    %reduce_sum3A_665 = vector.broadcast %reduce_sum3A_664 : i1 to vector<16xi1>
    %reduce_sum3A_666 = tpu.scan <sum>, %select_n3A_663 masked %reduce_sum3A_665 : vector<16xf32>, vector<16xi1> -> vector<16xf32>
    %reduce_sum3A_667 = vector.extract %reduce_sum3A_666[15] : f32 from vector<16xf32>
    %broadcast_in_dim3A_668 = vector.broadcast %reduce_sum3A_667 : f32 to vector<16xf32>
    %ge3A_669 = arith.cmpf oge, %get3A_545, %broadcast_in_dim3A_668 : vector<16xf32>
    %broadcast_in_dim3A_670 = arith.constant 0.000000e+00 : f32
    %broadcast_in_dim3A_671 = vector.broadcast %broadcast_in_dim3A_670 : f32 to vector<16xf32>
    %select_n3A_672 = arith.select %ge3A_669, %get3A_545, %broadcast_in_dim3A_671 : vector<16xi1>, vector<16xf32>
    %swap3A_673 = arith.constant 3 : i32
    %swap3A_674 = arith.index_cast %swap3A_673 : i32 to index
    %swap3A_675 = arith.constant 0 : index
    %swap3A_676 = tpu.vector_load %arg5[%swap3A_674, %swap3A_675] {strides = array<i32>} : memref<4x112xf32, #tpu.memory_space<vmem>>, vector<16xf32>,
    tpu.vector_store %arg5[%swap3A_674, %swap3A_675], %select_n3A_672 {strides = array<i32>} : memref<4x112xf32, #tpu.memory_space<vmem>>, vector<16xf32>,
    %ge3A_677 = arith.cmpf oge, %get3A_549, %broadcast_in_dim3A_668 : vector<16xf32>
    %broadcast_in_dim3A_678 = arith.constant 0.000000e+00 : f32
    %broadcast_in_dim3A_679 = vector.broadcast %broadcast_in_dim3A_678 : f32 to vector<16xf32>
    %select_n3A_680 = arith.select %ge3A_677, %get3A_549, %broadcast_in_dim3A_679 : vector<16xi1>, vector<16xf32>
    %swap3A_681 = arith.constant 3 : i32
    %swap3A_682 = arith.index_cast %swap3A_681 : i32 to index
    %swap3A_683 = arith.constant 16 : index
    %swap3A_684 = tpu.vector_load %arg5[%swap3A_682, %swap3A_683] {strides = array<i32>} : memref<4x112xf32, #tpu.memory_space<vmem>>, vector<16xf32>,
    tpu.vector_store %arg5[%swap3A_682, %swap3A_683], %select_n3A_680 {strides = array<i32>} : memref<4x112xf32, #tpu.memory_space<vmem>>, vector<16xf32>,
    %ge3A_685 = arith.cmpf oge, %get3A_553, %broadcast_in_dim3A_668 : vector<16xf32>
    %broadcast_in_dim3A_686 = arith.constant 0.000000e+00 : f32
    %broadcast_in_dim3A_687 = vector.broadcast %broadcast_in_dim3A_686 : f32 to vector<16xf32>
    %select_n3A_688 = arith.select %ge3A_685, %get3A_553, %broadcast_in_dim3A_687 : vector<16xi1>, vector<16xf32>
    %swap3A_689 = arith.constant 3 : i32
    %swap3A_690 = arith.index_cast %swap3A_689 : i32 to index
    %swap3A_691 = arith.constant 32 : index
    %swap3A_692 = tpu.vector_load %arg5[%swap3A_690, %swap3A_691] {strides = array<i32>} : memref<4x112xf32, #tpu.memory_space<vmem>>, vector<16xf32>,
    tpu.vector_store %arg5[%swap3A_690, %swap3A_691], %select_n3A_688 {strides = array<i32>} : memref<4x112xf32, #tpu.memory_space<vmem>>, vector<16xf32>,
    %ge3A_693 = arith.cmpf oge, %get3A_557, %broadcast_in_dim3A_668 : vector<16xf32>
    %broadcast_in_dim3A_694 = arith.constant 0.000000e+00 : f32
    %broadcast_in_dim3A_695 = vector.broadcast %broadcast_in_dim3A_694 : f32 to vector<16xf32>
    %select_n3A_696 = arith.select %ge3A_693, %get3A_557, %broadcast_in_dim3A_695 : vector<16xi1>, vector<16xf32>
    %swap3A_697 = arith.constant 3 : i32
    %swap3A_698 = arith.index_cast %swap3A_697 : i32 to index
    %swap3A_699 = arith.constant 48 : index
    %swap3A_700 = tpu.vector_load %arg5[%swap3A_698, %swap3A_699] {strides = array<i32>} : memref<4x112xf32, #tpu.memory_space<vmem>>, vector<16xf32>,
    tpu.vector_store %arg5[%swap3A_698, %swap3A_699], %select_n3A_696 {strides = array<i32>} : memref<4x112xf32, #tpu.memory_space<vmem>>, vector<16xf32>,
    %ge3A_701 = arith.cmpf oge, %get3A_561, %broadcast_in_dim3A_668 : vector<16xf32>
    %broadcast_in_dim3A_702 = arith.constant 0.000000e+00 : f32
    %broadcast_in_dim3A_703 = vector.broadcast %broadcast_in_dim3A_702 : f32 to vector<16xf32>
    %select_n3A_704 = arith.select %ge3A_701, %get3A_561, %broadcast_in_dim3A_703 : vector<16xi1>, vector<16xf32>
    %swap3A_705 = arith.constant 3 : i32
    %swap3A_706 = arith.index_cast %swap3A_705 : i32 to index
    %swap3A_707 = arith.constant 64 : index
    %swap3A_708 = tpu.vector_load %arg5[%swap3A_706, %swap3A_707] {strides = array<i32>} : memref<4x112xf32, #tpu.memory_space<vmem>>, vector<16xf32>,
    tpu.vector_store %arg5[%swap3A_706, %swap3A_707], %select_n3A_704 {strides = array<i32>} : memref<4x112xf32, #tpu.memory_space<vmem>>, vector<16xf32>,
    %ge3A_709 = arith.cmpf oge, %get3A_565, %broadcast_in_dim3A_668 : vector<16xf32>
    %broadcast_in_dim3A_710 = arith.constant 0.000000e+00 : f32
    %broadcast_in_dim3A_711 = vector.broadcast %broadcast_in_dim3A_710 : f32 to vector<16xf32>
    %select_n3A_712 = arith.select %ge3A_709, %get3A_565, %broadcast_in_dim3A_711 : vector<16xi1>, vector<16xf32>
    %swap3A_713 = arith.constant 3 : i32
    %swap3A_714 = arith.index_cast %swap3A_713 : i32 to index
    %swap3A_715 = arith.constant 80 : index
    %swap3A_716 = tpu.vector_load %arg5[%swap3A_714, %swap3A_715] {strides = array<i32>} : memref<4x112xf32, #tpu.memory_space<vmem>>, vector<16xf32>,
    tpu.vector_store %arg5[%swap3A_714, %swap3A_715], %select_n3A_712 {strides = array<i32>} : memref<4x112xf32, #tpu.memory_space<vmem>>, vector<16xf32>,
    %ge3A_717 = arith.cmpf oge, %get3A_569, %broadcast_in_dim3A_668 : vector<16xf32>
    %broadcast_in_dim3A_718 = arith.constant 0.000000e+00 : f32
    %broadcast_in_dim3A_719 = vector.broadcast %broadcast_in_dim3A_718 : f32 to vector<16xf32>
    %select_n3A_720 = arith.select %ge3A_717, %get3A_569, %broadcast_in_dim3A_719 : vector<16xi1>, vector<16xf32>
    %swap3A_721 = arith.constant 3 : i32
    %swap3A_722 = arith.index_cast %swap3A_721 : i32 to index
    %swap3A_723 = arith.constant 96 : index
    %swap3A_724 = tpu.vector_load %arg5[%swap3A_722, %swap3A_723] {strides = array<i32>} : memref<4x112xf32, #tpu.memory_space<vmem>>, vector<16xf32>,
    tpu.vector_store %arg5[%swap3A_722, %swap3A_723], %select_n3A_720 {strides = array<i32>} : memref<4x112xf32, #tpu.memory_space<vmem>>, vector<16xf32>,
    "tpu.region"() ({
      %run_scoped3A = tpu.sem_alloc : memref<!tpu.dma_semaphore, #tpu.memory_space<semaphore_mem>>
      %dma_start3A = arith.constant 0 : i32
      %dma_start3A_725 = tpu.memref_slice %arg3[%mul3A_2, %dma_start3A] : memref<128x112xf32, #tpu.memory_space<hbm>> -> memref<4x112xf32, #tpu.memory_space<hbm>>
      %dma_start3A_726 = arith.constant 0 : i32
      %dma_start3A_727 = tpu.memref_slice %arg3[%mul3A_2, %dma_start3A_726] : memref<128x112xf32, #tpu.memory_space<hbm>> -> memref<4x112xf32, #tpu.memory_space<hbm>>
      tpu.enqueue_dma source(%arg5 : memref<4x112xf32, #tpu.memory_space<vmem>>) target(%dma_start3A_727 : memref<4x112xf32, #tpu.memory_space<hbm>>) target_semaphore(%run_scoped3A : memref<!tpu.dma_semaphore, #tpu.memory_space<semaphore_mem>>)
      %dma_wait3A = arith.constant 0 : i32
      %dma_wait3A_728 = tpu.memref_slice %arg3[%mul3A_2, %dma_wait3A] : memref<128x112xf32, #tpu.memory_space<hbm>> -> memref<4x112xf32, #tpu.memory_space<hbm>>
      %dma_wait3A_729 = arith.constant 0 : i32
      %dma_wait3A_730 = tpu.memref_slice %arg3[%mul3A_2, %dma_wait3A_729] : memref<128x112xf32, #tpu.memory_space<hbm>> -> memref<4x112xf32, #tpu.memory_space<hbm>>
      tpu.wait_dma2 semaphore(%run_scoped3A : memref<!tpu.dma_semaphore, #tpu.memory_space<semaphore_mem>>) src(%arg5 : memref<4x112xf32, #tpu.memory_space<vmem>>) dst(%dma_wait3A_730 : memref<4x112xf32, #tpu.memory_space<hbm>>)
      tpu.yield
    }) : () -> ()
    return
  }
}

module attributes {stable_mosaic.version = 14 : i64} {
  func.func @_tail_body(%arg0: memref<128x112xf32, #tpu.memory_space<vmem>>, %arg1: memref<100x4096xf32, #tpu.memory_space<vmem>>, %arg2: memref<32x4096xf32, #tpu.memory_space<vmem>>, %arg3: memref<32x1xf32, #tpu.memory_space<vmem>>, %arg4: memref<1x100xf32, #tpu.memory_space<vmem>>) attributes {dimension_semantics = [], scalar_prefetch = 0 : i64, scratch_operands = 0 : i64, tpu.core_type = #tpu.core_type<tc>} {
    %get3A = arith.constant 0 : index
    %get3A_0 = arith.constant 0 : index
    %get3A_1 = vector.load %arg0[%get3A, %get3A_0] : memref<128x112xf32, #tpu.memory_space<vmem>>, vector<100x100xf32>
    %get3A_2 = arith.constant 0 : index
    %get3A_3 = arith.constant 0 : index
    %get3A_4 = vector.load %arg1[%get3A_2, %get3A_3] : memref<100x4096xf32, #tpu.memory_space<vmem>>, vector<100x4096xf32>
    %dot_general3A = arith.constant dense<0.000000e+00> : vector<100x4096xf32>
    %dot_general3A_5 = tpu.matmul %get3A_1, %get3A_4, %dot_general3A {dimension_numbers = #tpu.dot_dimension_numbers<[1], [0], [0], [1], [0, 0, 1, 1], [], []>, transpose_lhs_hint = false} : vector<100x100xf32>, vector<100x4096xf32>, vector<100x4096xf32> -> vector<100x4096xf32>
    %get3A_6 = arith.constant 0 : index
    %get3A_7 = arith.constant 0 : index
    %get3A_8 = vector.load %arg2[%get3A_6, %get3A_7] : memref<32x4096xf32, #tpu.memory_space<vmem>>, vector<32x4096xf32>
    %dot_general3A_9 = arith.constant dense<0.000000e+00> : vector<100x32xf32>
    %dot_general3A_10 = tpu.matmul %dot_general3A_5, %get3A_8, %dot_general3A_9 {dimension_numbers = #tpu.dot_dimension_numbers<[1], [1], [0], [0], [0, 0, 1, 0], [], []>, transpose_lhs_hint = false} : vector<100x4096xf32>, vector<32x4096xf32>, vector<100x32xf32> -> vector<100x32xf32>
    %ge3A = arith.constant 0.000000e+00 : f32
    %ge3A_11 = vector.broadcast %ge3A : f32 to vector<100x32xf32>
    %ge3A_12 = arith.cmpf oge, %dot_general3A_10, %ge3A_11 : vector<100x32xf32>
    %mul3A = arith.constant 2.000000e-01 : f32
    %mul3A_13 = vector.broadcast %mul3A : f32 to vector<100x32xf32>
    %mul3A_14 = arith.mulf %mul3A_13, %dot_general3A_10 : vector<100x32xf32>
    %select_n3A = arith.select %ge3A_12, %dot_general3A_10, %mul3A_14 : vector<100x32xi1>, vector<100x32xf32>
    %get3A_15 = arith.constant 0 : index
    %get3A_16 = arith.constant 0 : index
    %get3A_17 = vector.load %arg3[%get3A_15, %get3A_16] : memref<32x1xf32, #tpu.memory_space<vmem>>, vector<32x1xf32>
    %dot_general3A_18 = arith.constant dense<0.000000e+00> : vector<100x1xf32>
    %dot_general3A_19 = tpu.matmul %select_n3A, %get3A_17, %dot_general3A_18 {dimension_numbers = #tpu.dot_dimension_numbers<[1], [0], [0], [1], [0, 0, 1, 1], [], []>, transpose_lhs_hint = false} : vector<100x32xf32>, vector<32x1xf32>, vector<100x1xf32> -> vector<100x1xf32>
    %reshape3A = vector.shape_cast %dot_general3A_19 : vector<100x1xf32> to vector<1x100xf32>
    %swap3A = arith.constant 0 : index
    %swap3A_20 = arith.constant 0 : index
    %swap3A_21 = vector.load %arg4[%swap3A, %swap3A_20] : memref<1x100xf32, #tpu.memory_space<vmem>>, vector<1x100xf32>
    tpu.vector_store %arg4[%swap3A, %swap3A_20], %reshape3A {strides = array<i32>} : memref<1x100xf32, #tpu.memory_space<vmem>>, vector<1x100xf32>,
    return
  }
}

module attributes {stable_mosaic.version = 14 : i64} {
  func.func @_adj_body(%arg0: memref<100x4096xf32, #tpu.memory_space<vmem>>, %arg1: memref<100x100xf32, #tpu.memory_space<vmem>>, %arg2: memref<17x100x100xf32, #tpu.memory_space<vmem>>, %arg3: memref<18xf32, #tpu.memory_space<smem>>, %arg4: memref<128x112xf32, #tpu.memory_space<vmem>>) attributes {dimension_semantics = [], scalar_prefetch = 0 : i64, scratch_operands = 0 : i64, tpu.core_type = #tpu.core_type<tc>} {
    %get3A = arith.constant 0 : index
    %get3A_0 = arith.constant 0 : index
    %get3A_1 = vector.load %arg0[%get3A, %get3A_0] : memref<100x4096xf32, #tpu.memory_space<vmem>>, vector<100x4096xf32>
    %reduce_sum3A = arith.constant dense<0.000000e+00> : vector<100xf32>
    %reduce_sum3A_2 = vector.multi_reduction <add>, %get3A_1, %reduce_sum3A [1] : vector<100x4096xf32> to vector<100xf32>
    %broadcast_in_dim3A = vector.shape_cast %reduce_sum3A_2 : vector<100xf32> to vector<100x1xf32>
    %div3A = arith.constant 4.096000e+03 : f32
    %div3A_3 = vector.broadcast %div3A : f32 to vector<100x1xf32>
    %div3A_4 = arith.divf %broadcast_in_dim3A, %div3A_3 : vector<100x1xf32>
    %sub3A = vector.broadcast %div3A_4 : vector<100x1xf32> to vector<100x4096xf32>
    %sub3A_5 = arith.subf %get3A_1, %sub3A : vector<100x4096xf32>
    %dot_general3A = arith.constant dense<0.000000e+00> : vector<100x100xf32>
    %dot_general3A_6 = tpu.matmul %sub3A_5, %sub3A_5, %dot_general3A {dimension_numbers = #tpu.dot_dimension_numbers<[1], [1], [0], [0], [0, 0, 1, 0], [], []>, transpose_lhs_hint = false} : vector<100x4096xf32>, vector<100x4096xf32>, vector<100x100xf32> -> vector<100x100xf32>
    %mul3A = arith.mulf %sub3A_5, %sub3A_5 : vector<100x4096xf32>
    %reduce_sum3A_7 = arith.constant dense<0.000000e+00> : vector<100xf32>
    %reduce_sum3A_8 = vector.multi_reduction <add>, %mul3A, %reduce_sum3A_7 [1] : vector<100x4096xf32> to vector<100xf32>
    %broadcast_in_dim3A_9 = vector.shape_cast %reduce_sum3A_8 : vector<100xf32> to vector<100x1xf32>
    %sqrt3A = math.sqrt %broadcast_in_dim3A_9 : vector<100x1xf32>
    %reshape3A = vector.shape_cast %sqrt3A : vector<100x1xf32> to vector<1x100xf32>
    %mul3A_10 = vector.broadcast %sqrt3A : vector<100x1xf32> to vector<100x100xf32>
    %mul3A_11 = vector.broadcast %reshape3A : vector<1x100xf32> to vector<100x100xf32>
    %mul3A_12 = arith.mulf %mul3A_10, %mul3A_11 : vector<100x100xf32>
    %div3A_13 = arith.divf %dot_general3A_6, %mul3A_12 : vector<100x100xf32>
    %iota3A = tpu.iota {dimensions = array<i32: 0>} : vector<100x100xi32>
    %iota3A_14 = tpu.iota {dimensions = array<i32: 1>} : vector<100x100xi32>
    %eq3A = arith.cmpi eq, %iota3A, %iota3A_14 : vector<100x100xi32>
    %jit3A = arith.constant 1.000000e+00 : f32
    %jit3A_15 = arith.constant 0.000000e+00 : f32
    %broadcast_in_dim3A_16 = vector.broadcast %jit3A : f32 to vector<100x100xf32>
    %broadcast_in_dim3A_17 = vector.broadcast %jit3A_15 : f32 to vector<100x100xf32>
    %select_n3A = arith.select %eq3A, %broadcast_in_dim3A_16, %broadcast_in_dim3A_17 : vector<100x100xi1>, vector<100x100xf32>
    %sub3A_18 = arith.constant 1.000000e+00 : f32
    %sub3A_19 = vector.broadcast %sub3A_18 : f32 to vector<100x100xf32>
    %sub3A_20 = arith.subf %sub3A_19, %div3A_13 : vector<100x100xf32>
    %sub3A_21 = arith.constant 1.000000e+00 : f32
    %sub3A_22 = vector.broadcast %sub3A_21 : f32 to vector<100x100xf32>
    %sub3A_23 = arith.subf %sub3A_22, %select_n3A : vector<100x100xf32>
    %mul3A_24 = arith.mulf %sub3A_20, %sub3A_23 : vector<100x100xf32>
    %reduce_sum3A_25 = vector.shape_cast %mul3A_24 : vector<100x100xf32> to vector<1x100x100xf32>
    %reduce_sum3A_26 = arith.constant dense<0.000000e+00> : vector<1xf32>
    %reduce_sum3A_27 = vector.multi_reduction <add>, %reduce_sum3A_25, %reduce_sum3A_26 [1, 2] : vector<1x100x100xf32> to vector<1xf32>
    %reduce_sum3A_28 = vector.shape_cast %reduce_sum3A_27 : vector<1xf32> to vector<1x1x1xf32>
    %reduce_sum3A_29 = vector.extract %reduce_sum3A_28[0, 0, 0] : f32 from vector<1x1x1xf32>
    %div3A_30 = arith.constant 1.000000e+04 : f32
    %div3A_31 = arith.divf %reduce_sum3A_29, %div3A_30 : f32
    %mul3A_32 = arith.mulf %mul3A_24, %mul3A_24 : vector<100x100xf32>
    %neg3A = arith.constant 0.000000e+00 : f32
    %neg3A_33 = vector.broadcast %neg3A : f32 to vector<100x100xf32>
    %neg3A_34 = arith.subf %neg3A_33, %mul3A_32 : vector<100x100xf32>
    %mul3A_35 = arith.constant 2.000000e+00 : f32
    %mul3A_36 = arith.mulf %mul3A_35, %div3A_31 : f32
    %mul3A_37 = arith.mulf %mul3A_36, %div3A_31 : f32
    %div3A_38 = vector.broadcast %mul3A_37 : f32 to vector<100x100xf32>
    %div3A_39 = arith.divf %neg3A_34, %div3A_38 : vector<100x100xf32>
    %exp3A = math.exp %div3A_39 : vector<100x100xf32>
    %get3A_40 = arith.constant 1 : index
    %get3A_41 = memref.load %arg3[%get3A_40] : memref<18xf32, #tpu.memory_space<smem>>
    %convert_element_type3A = arith.truncf %get3A_41 : f32 to bf16
    %convert_element_type3A_42 = arith.extf %convert_element_type3A : bf16 to f32
    %get3A_43 = arith.constant 0 : index
    %get3A_44 = arith.constant 0 : index
    %get3A_45 = arith.constant 0 : index
    %get3A_46 = vector.load %arg2[%get3A_43, %get3A_44, %get3A_45] : memref<17x100x100xf32, #tpu.memory_space<vmem>>, vector<1x100x100xf32>
    %get3A_47 = vector.shape_cast %get3A_46 : vector<1x100x100xf32> to vector<100x100xf32>
    %convert_element_type3A_48 = arith.truncf %get3A_47 : vector<100x100xf32> to vector<100x100xbf16>
    %convert_element_type3A_49 = arith.extf %convert_element_type3A_48 : vector<100x100xbf16> to vector<100x100xf32>
    %mul3A_50 = vector.broadcast %convert_element_type3A_42 : f32 to vector<100x100xf32>
    %mul3A_51 = arith.mulf %mul3A_50, %convert_element_type3A_49 : vector<100x100xf32>
    %get3A_52 = arith.constant 2 : index
    %get3A_53 = memref.load %arg3[%get3A_52] : memref<18xf32, #tpu.memory_space<smem>>
    %convert_element_type3A_54 = arith.truncf %get3A_53 : f32 to bf16
    %convert_element_type3A_55 = arith.extf %convert_element_type3A_54 : bf16 to f32
    %get3A_56 = arith.constant 1 : index
    %get3A_57 = arith.constant 0 : index
    %get3A_58 = arith.constant 0 : index
    %get3A_59 = vector.load %arg2[%get3A_56, %get3A_57, %get3A_58] : memref<17x100x100xf32, #tpu.memory_space<vmem>>, vector<1x100x100xf32>
    %get3A_60 = vector.shape_cast %get3A_59 : vector<1x100x100xf32> to vector<100x100xf32>
    %convert_element_type3A_61 = arith.truncf %get3A_60 : vector<100x100xf32> to vector<100x100xbf16>
    %convert_element_type3A_62 = arith.extf %convert_element_type3A_61 : vector<100x100xbf16> to vector<100x100xf32>
    %mul3A_63 = vector.broadcast %convert_element_type3A_55 : f32 to vector<100x100xf32>
    %mul3A_64 = arith.mulf %mul3A_63, %convert_element_type3A_62 : vector<100x100xf32>
    %add3A = arith.addf %mul3A_51, %mul3A_64 : vector<100x100xf32>
    %get3A_65 = arith.constant 3 : index
    %get3A_66 = memref.load %arg3[%get3A_65] : memref<18xf32, #tpu.memory_space<smem>>
    %convert_element_type3A_67 = arith.truncf %get3A_66 : f32 to bf16
    %convert_element_type3A_68 = arith.extf %convert_element_type3A_67 : bf16 to f32
    %get3A_69 = arith.constant 2 : index
    %get3A_70 = arith.constant 0 : index
    %get3A_71 = arith.constant 0 : index
    %get3A_72 = vector.load %arg2[%get3A_69, %get3A_70, %get3A_71] : memref<17x100x100xf32, #tpu.memory_space<vmem>>, vector<1x100x100xf32>
    %get3A_73 = vector.shape_cast %get3A_72 : vector<1x100x100xf32> to vector<100x100xf32>
    %convert_element_type3A_74 = arith.truncf %get3A_73 : vector<100x100xf32> to vector<100x100xbf16>
    %convert_element_type3A_75 = arith.extf %convert_element_type3A_74 : vector<100x100xbf16> to vector<100x100xf32>
    %mul3A_76 = vector.broadcast %convert_element_type3A_68 : f32 to vector<100x100xf32>
    %mul3A_77 = arith.mulf %mul3A_76, %convert_element_type3A_75 : vector<100x100xf32>
    %add3A_78 = arith.addf %add3A, %mul3A_77 : vector<100x100xf32>
    %get3A_79 = arith.constant 4 : index
    %get3A_80 = memref.load %arg3[%get3A_79] : memref<18xf32, #tpu.memory_space<smem>>
    %convert_element_type3A_81 = arith.truncf %get3A_80 : f32 to bf16
    %convert_element_type3A_82 = arith.extf %convert_element_type3A_81 : bf16 to f32
    %get3A_83 = arith.constant 3 : index
    %get3A_84 = arith.constant 0 : index
    %get3A_85 = arith.constant 0 : index
    %get3A_86 = vector.load %arg2[%get3A_83, %get3A_84, %get3A_85] : memref<17x100x100xf32, #tpu.memory_space<vmem>>, vector<1x100x100xf32>
    %get3A_87 = vector.shape_cast %get3A_86 : vector<1x100x100xf32> to vector<100x100xf32>
    %convert_element_type3A_88 = arith.truncf %get3A_87 : vector<100x100xf32> to vector<100x100xbf16>
    %convert_element_type3A_89 = arith.extf %convert_element_type3A_88 : vector<100x100xbf16> to vector<100x100xf32>
    %mul3A_90 = vector.broadcast %convert_element_type3A_82 : f32 to vector<100x100xf32>
    %mul3A_91 = arith.mulf %mul3A_90, %convert_element_type3A_89 : vector<100x100xf32>
    %add3A_92 = arith.addf %add3A_78, %mul3A_91 : vector<100x100xf32>
    %get3A_93 = arith.constant 5 : index
    %get3A_94 = memref.load %arg3[%get3A_93] : memref<18xf32, #tpu.memory_space<smem>>
    %convert_element_type3A_95 = arith.truncf %get3A_94 : f32 to bf16
    %convert_element_type3A_96 = arith.extf %convert_element_type3A_95 : bf16 to f32
    %get3A_97 = arith.constant 4 : index
    %get3A_98 = arith.constant 0 : index
    %get3A_99 = arith.constant 0 : index
    %get3A_100 = vector.load %arg2[%get3A_97, %get3A_98, %get3A_99] : memref<17x100x100xf32, #tpu.memory_space<vmem>>, vector<1x100x100xf32>
    %get3A_101 = vector.shape_cast %get3A_100 : vector<1x100x100xf32> to vector<100x100xf32>
    %convert_element_type3A_102 = arith.truncf %get3A_101 : vector<100x100xf32> to vector<100x100xbf16>
    %convert_element_type3A_103 = arith.extf %convert_element_type3A_102 : vector<100x100xbf16> to vector<100x100xf32>
    %mul3A_104 = vector.broadcast %convert_element_type3A_96 : f32 to vector<100x100xf32>
    %mul3A_105 = arith.mulf %mul3A_104, %convert_element_type3A_103 : vector<100x100xf32>
    %add3A_106 = arith.addf %add3A_92, %mul3A_105 : vector<100x100xf32>
    %get3A_107 = arith.constant 6 : index
    %get3A_108 = memref.load %arg3[%get3A_107] : memref<18xf32, #tpu.memory_space<smem>>
    %convert_element_type3A_109 = arith.truncf %get3A_108 : f32 to bf16
    %convert_element_type3A_110 = arith.extf %convert_element_type3A_109 : bf16 to f32
    %get3A_111 = arith.constant 5 : index
    %get3A_112 = arith.constant 0 : index
    %get3A_113 = arith.constant 0 : index
    %get3A_114 = vector.load %arg2[%get3A_111, %get3A_112, %get3A_113] : memref<17x100x100xf32, #tpu.memory_space<vmem>>, vector<1x100x100xf32>
    %get3A_115 = vector.shape_cast %get3A_114 : vector<1x100x100xf32> to vector<100x100xf32>
    %convert_element_type3A_116 = arith.truncf %get3A_115 : vector<100x100xf32> to vector<100x100xbf16>
    %convert_element_type3A_117 = arith.extf %convert_element_type3A_116 : vector<100x100xbf16> to vector<100x100xf32>
    %mul3A_118 = vector.broadcast %convert_element_type3A_110 : f32 to vector<100x100xf32>
    %mul3A_119 = arith.mulf %mul3A_118, %convert_element_type3A_117 : vector<100x100xf32>
    %add3A_120 = arith.addf %add3A_106, %mul3A_119 : vector<100x100xf32>
    %get3A_121 = arith.constant 7 : index
    %get3A_122 = memref.load %arg3[%get3A_121] : memref<18xf32, #tpu.memory_space<smem>>
    %convert_element_type3A_123 = arith.truncf %get3A_122 : f32 to bf16
    %convert_element_type3A_124 = arith.extf %convert_element_type3A_123 : bf16 to f32
    %get3A_125 = arith.constant 6 : index
    %get3A_126 = arith.constant 0 : index
    %get3A_127 = arith.constant 0 : index
    %get3A_128 = vector.load %arg2[%get3A_125, %get3A_126, %get3A_127] : memref<17x100x100xf32, #tpu.memory_space<vmem>>, vector<1x100x100xf32>
    %get3A_129 = vector.shape_cast %get3A_128 : vector<1x100x100xf32> to vector<100x100xf32>
    %convert_element_type3A_130 = arith.truncf %get3A_129 : vector<100x100xf32> to vector<100x100xbf16>
    %convert_element_type3A_131 = arith.extf %convert_element_type3A_130 : vector<100x100xbf16> to vector<100x100xf32>
    %mul3A_132 = vector.broadcast %convert_element_type3A_124 : f32 to vector<100x100xf32>
    %mul3A_133 = arith.mulf %mul3A_132, %convert_element_type3A_131 : vector<100x100xf32>
    %add3A_134 = arith.addf %add3A_120, %mul3A_133 : vector<100x100xf32>
    %get3A_135 = arith.constant 8 : index
    %get3A_136 = memref.load %arg3[%get3A_135] : memref<18xf32, #tpu.memory_space<smem>>
    %convert_element_type3A_137 = arith.truncf %get3A_136 : f32 to bf16
    %convert_element_type3A_138 = arith.extf %convert_element_type3A_137 : bf16 to f32
    %get3A_139 = arith.constant 7 : index
    %get3A_140 = arith.constant 0 : index
    %get3A_141 = arith.constant 0 : index
    %get3A_142 = vector.load %arg2[%get3A_139, %get3A_140, %get3A_141] : memref<17x100x100xf32, #tpu.memory_space<vmem>>, vector<1x100x100xf32>
    %get3A_143 = vector.shape_cast %get3A_142 : vector<1x100x100xf32> to vector<100x100xf32>
    %convert_element_type3A_144 = arith.truncf %get3A_143 : vector<100x100xf32> to vector<100x100xbf16>
    %convert_element_type3A_145 = arith.extf %convert_element_type3A_144 : vector<100x100xbf16> to vector<100x100xf32>
    %mul3A_146 = vector.broadcast %convert_element_type3A_138 : f32 to vector<100x100xf32>
    %mul3A_147 = arith.mulf %mul3A_146, %convert_element_type3A_145 : vector<100x100xf32>
    %add3A_148 = arith.addf %add3A_134, %mul3A_147 : vector<100x100xf32>
    %get3A_149 = arith.constant 9 : index
    %get3A_150 = memref.load %arg3[%get3A_149] : memref<18xf32, #tpu.memory_space<smem>>
    %convert_element_type3A_151 = arith.truncf %get3A_150 : f32 to bf16
    %convert_element_type3A_152 = arith.extf %convert_element_type3A_151 : bf16 to f32
    %get3A_153 = arith.constant 8 : index
    %get3A_154 = arith.constant 0 : index
    %get3A_155 = arith.constant 0 : index
    %get3A_156 = vector.load %arg2[%get3A_153, %get3A_154, %get3A_155] : memref<17x100x100xf32, #tpu.memory_space<vmem>>, vector<1x100x100xf32>
    %get3A_157 = vector.shape_cast %get3A_156 : vector<1x100x100xf32> to vector<100x100xf32>
    %convert_element_type3A_158 = arith.truncf %get3A_157 : vector<100x100xf32> to vector<100x100xbf16>
    %convert_element_type3A_159 = arith.extf %convert_element_type3A_158 : vector<100x100xbf16> to vector<100x100xf32>
    %mul3A_160 = vector.broadcast %convert_element_type3A_152 : f32 to vector<100x100xf32>
    %mul3A_161 = arith.mulf %mul3A_160, %convert_element_type3A_159 : vector<100x100xf32>
    %add3A_162 = arith.addf %add3A_148, %mul3A_161 : vector<100x100xf32>
    %get3A_163 = arith.constant 10 : index
    %get3A_164 = memref.load %arg3[%get3A_163] : memref<18xf32, #tpu.memory_space<smem>>
    %convert_element_type3A_165 = arith.truncf %get3A_164 : f32 to bf16
    %convert_element_type3A_166 = arith.extf %convert_element_type3A_165 : bf16 to f32
    %get3A_167 = arith.constant 9 : index
    %get3A_168 = arith.constant 0 : index
    %get3A_169 = arith.constant 0 : index
    %get3A_170 = vector.load %arg2[%get3A_167, %get3A_168, %get3A_169] : memref<17x100x100xf32, #tpu.memory_space<vmem>>, vector<1x100x100xf32>
    %get3A_171 = vector.shape_cast %get3A_170 : vector<1x100x100xf32> to vector<100x100xf32>
    %convert_element_type3A_172 = arith.truncf %get3A_171 : vector<100x100xf32> to vector<100x100xbf16>
    %convert_element_type3A_173 = arith.extf %convert_element_type3A_172 : vector<100x100xbf16> to vector<100x100xf32>
    %mul3A_174 = vector.broadcast %convert_element_type3A_166 : f32 to vector<100x100xf32>
    %mul3A_175 = arith.mulf %mul3A_174, %convert_element_type3A_173 : vector<100x100xf32>
    %add3A_176 = arith.addf %add3A_162, %mul3A_175 : vector<100x100xf32>
    %get3A_177 = arith.constant 11 : index
    %get3A_178 = memref.load %arg3[%get3A_177] : memref<18xf32, #tpu.memory_space<smem>>
    %convert_element_type3A_179 = arith.truncf %get3A_178 : f32 to bf16
    %convert_element_type3A_180 = arith.extf %convert_element_type3A_179 : bf16 to f32
    %get3A_181 = arith.constant 10 : index
    %get3A_182 = arith.constant 0 : index
    %get3A_183 = arith.constant 0 : index
    %get3A_184 = vector.load %arg2[%get3A_181, %get3A_182, %get3A_183] : memref<17x100x100xf32, #tpu.memory_space<vmem>>, vector<1x100x100xf32>
    %get3A_185 = vector.shape_cast %get3A_184 : vector<1x100x100xf32> to vector<100x100xf32>
    %convert_element_type3A_186 = arith.truncf %get3A_185 : vector<100x100xf32> to vector<100x100xbf16>
    %convert_element_type3A_187 = arith.extf %convert_element_type3A_186 : vector<100x100xbf16> to vector<100x100xf32>
    %mul3A_188 = vector.broadcast %convert_element_type3A_180 : f32 to vector<100x100xf32>
    %mul3A_189 = arith.mulf %mul3A_188, %convert_element_type3A_187 : vector<100x100xf32>
    %add3A_190 = arith.addf %add3A_176, %mul3A_189 : vector<100x100xf32>
    %get3A_191 = arith.constant 12 : index
    %get3A_192 = memref.load %arg3[%get3A_191] : memref<18xf32, #tpu.memory_space<smem>>
    %convert_element_type3A_193 = arith.truncf %get3A_192 : f32 to bf16
    %convert_element_type3A_194 = arith.extf %convert_element_type3A_193 : bf16 to f32
    %get3A_195 = arith.constant 11 : index
    %get3A_196 = arith.constant 0 : index
    %get3A_197 = arith.constant 0 : index
    %get3A_198 = vector.load %arg2[%get3A_195, %get3A_196, %get3A_197] : memref<17x100x100xf32, #tpu.memory_space<vmem>>, vector<1x100x100xf32>
    %get3A_199 = vector.shape_cast %get3A_198 : vector<1x100x100xf32> to vector<100x100xf32>
    %convert_element_type3A_200 = arith.truncf %get3A_199 : vector<100x100xf32> to vector<100x100xbf16>
    %convert_element_type3A_201 = arith.extf %convert_element_type3A_200 : vector<100x100xbf16> to vector<100x100xf32>
    %mul3A_202 = vector.broadcast %convert_element_type3A_194 : f32 to vector<100x100xf32>
    %mul3A_203 = arith.mulf %mul3A_202, %convert_element_type3A_201 : vector<100x100xf32>
    %add3A_204 = arith.addf %add3A_190, %mul3A_203 : vector<100x100xf32>
    %get3A_205 = arith.constant 13 : index
    %get3A_206 = memref.load %arg3[%get3A_205] : memref<18xf32, #tpu.memory_space<smem>>
    %convert_element_type3A_207 = arith.truncf %get3A_206 : f32 to bf16
    %convert_element_type3A_208 = arith.extf %convert_element_type3A_207 : bf16 to f32
    %get3A_209 = arith.constant 12 : index
    %get3A_210 = arith.constant 0 : index
    %get3A_211 = arith.constant 0 : index
    %get3A_212 = vector.load %arg2[%get3A_209, %get3A_210, %get3A_211] : memref<17x100x100xf32, #tpu.memory_space<vmem>>, vector<1x100x100xf32>
    %get3A_213 = vector.shape_cast %get3A_212 : vector<1x100x100xf32> to vector<100x100xf32>
    %convert_element_type3A_214 = arith.truncf %get3A_213 : vector<100x100xf32> to vector<100x100xbf16>
    %convert_element_type3A_215 = arith.extf %convert_element_type3A_214 : vector<100x100xbf16> to vector<100x100xf32>
    %mul3A_216 = vector.broadcast %convert_element_type3A_208 : f32 to vector<100x100xf32>
    %mul3A_217 = arith.mulf %mul3A_216, %convert_element_type3A_215 : vector<100x100xf32>
    %add3A_218 = arith.addf %add3A_204, %mul3A_217 : vector<100x100xf32>
    %get3A_219 = arith.constant 14 : index
    %get3A_220 = memref.load %arg3[%get3A_219] : memref<18xf32, #tpu.memory_space<smem>>
    %convert_element_type3A_221 = arith.truncf %get3A_220 : f32 to bf16
    %convert_element_type3A_222 = arith.extf %convert_element_type3A_221 : bf16 to f32
    %get3A_223 = arith.constant 13 : index
    %get3A_224 = arith.constant 0 : index
    %get3A_225 = arith.constant 0 : index
    %get3A_226 = vector.load %arg2[%get3A_223, %get3A_224, %get3A_225] : memref<17x100x100xf32, #tpu.memory_space<vmem>>, vector<1x100x100xf32>
    %get3A_227 = vector.shape_cast %get3A_226 : vector<1x100x100xf32> to vector<100x100xf32>
    %convert_element_type3A_228 = arith.truncf %get3A_227 : vector<100x100xf32> to vector<100x100xbf16>
    %convert_element_type3A_229 = arith.extf %convert_element_type3A_228 : vector<100x100xbf16> to vector<100x100xf32>
    %mul3A_230 = vector.broadcast %convert_element_type3A_222 : f32 to vector<100x100xf32>
    %mul3A_231 = arith.mulf %mul3A_230, %convert_element_type3A_229 : vector<100x100xf32>
    %add3A_232 = arith.addf %add3A_218, %mul3A_231 : vector<100x100xf32>
    %get3A_233 = arith.constant 15 : index
    %get3A_234 = memref.load %arg3[%get3A_233] : memref<18xf32, #tpu.memory_space<smem>>
    %convert_element_type3A_235 = arith.truncf %get3A_234 : f32 to bf16
    %convert_element_type3A_236 = arith.extf %convert_element_type3A_235 : bf16 to f32
    %get3A_237 = arith.constant 14 : index
    %get3A_238 = arith.constant 0 : index
    %get3A_239 = arith.constant 0 : index
    %get3A_240 = vector.load %arg2[%get3A_237, %get3A_238, %get3A_239] : memref<17x100x100xf32, #tpu.memory_space<vmem>>, vector<1x100x100xf32>
    %get3A_241 = vector.shape_cast %get3A_240 : vector<1x100x100xf32> to vector<100x100xf32>
    %convert_element_type3A_242 = arith.truncf %get3A_241 : vector<100x100xf32> to vector<100x100xbf16>
    %convert_element_type3A_243 = arith.extf %convert_element_type3A_242 : vector<100x100xbf16> to vector<100x100xf32>
    %mul3A_244 = vector.broadcast %convert_element_type3A_236 : f32 to vector<100x100xf32>
    %mul3A_245 = arith.mulf %mul3A_244, %convert_element_type3A_243 : vector<100x100xf32>
    %add3A_246 = arith.addf %add3A_232, %mul3A_245 : vector<100x100xf32>
    %get3A_247 = arith.constant 16 : index
    %get3A_248 = memref.load %arg3[%get3A_247] : memref<18xf32, #tpu.memory_space<smem>>
    %convert_element_type3A_249 = arith.truncf %get3A_248 : f32 to bf16
    %convert_element_type3A_250 = arith.extf %convert_element_type3A_249 : bf16 to f32
    %get3A_251 = arith.constant 15 : index
    %get3A_252 = arith.constant 0 : index
    %get3A_253 = arith.constant 0 : index
    %get3A_254 = vector.load %arg2[%get3A_251, %get3A_252, %get3A_253] : memref<17x100x100xf32, #tpu.memory_space<vmem>>, vector<1x100x100xf32>
    %get3A_255 = vector.shape_cast %get3A_254 : vector<1x100x100xf32> to vector<100x100xf32>
    %convert_element_type3A_256 = arith.truncf %get3A_255 : vector<100x100xf32> to vector<100x100xbf16>
    %convert_element_type3A_257 = arith.extf %convert_element_type3A_256 : vector<100x100xbf16> to vector<100x100xf32>
    %mul3A_258 = vector.broadcast %convert_element_type3A_250 : f32 to vector<100x100xf32>
    %mul3A_259 = arith.mulf %mul3A_258, %convert_element_type3A_257 : vector<100x100xf32>
    %add3A_260 = arith.addf %add3A_246, %mul3A_259 : vector<100x100xf32>
    %get3A_261 = arith.constant 17 : index
    %get3A_262 = memref.load %arg3[%get3A_261] : memref<18xf32, #tpu.memory_space<smem>>
    %convert_element_type3A_263 = arith.truncf %get3A_262 : f32 to bf16
    %convert_element_type3A_264 = arith.extf %convert_element_type3A_263 : bf16 to f32
    %get3A_265 = arith.constant 16 : index
    %get3A_266 = arith.constant 0 : index
    %get3A_267 = arith.constant 0 : index
    %get3A_268 = vector.load %arg2[%get3A_265, %get3A_266, %get3A_267] : memref<17x100x100xf32, #tpu.memory_space<vmem>>, vector<1x100x100xf32>
    %get3A_269 = vector.shape_cast %get3A_268 : vector<1x100x100xf32> to vector<100x100xf32>
    %convert_element_type3A_270 = arith.truncf %get3A_269 : vector<100x100xf32> to vector<100x100xbf16>
    %convert_element_type3A_271 = arith.extf %convert_element_type3A_270 : vector<100x100xbf16> to vector<100x100xf32>
    %mul3A_272 = vector.broadcast %convert_element_type3A_264 : f32 to vector<100x100xf32>
    %mul3A_273 = arith.mulf %mul3A_272, %convert_element_type3A_271 : vector<100x100xf32>
    %add3A_274 = arith.addf %add3A_260, %mul3A_273 : vector<100x100xf32>
    %add3A_275 = arith.addf %add3A_274, %select_n3A : vector<100x100xf32>
    %get3A_276 = arith.constant 0 : index
    %get3A_277 = memref.load %arg3[%get3A_276] : memref<18xf32, #tpu.memory_space<smem>>
    %get3A_278 = arith.constant 0 : index
    %get3A_279 = arith.constant 0 : index
    %get3A_280 = vector.load %arg1[%get3A_278, %get3A_279] : memref<100x100xf32, #tpu.memory_space<vmem>>, vector<100x100xf32>
    %mul3A_281 = vector.broadcast %get3A_277 : f32 to vector<100x100xf32>
    %mul3A_282 = arith.mulf %mul3A_281, %get3A_280 : vector<100x100xf32>
    %add3A_283 = arith.addf %add3A_275, %mul3A_282 : vector<100x100xf32>
    %mul3A_284 = arith.mulf %exp3A, %add3A_283 : vector<100x100xf32>
    %broadcast_in_dim3A_285 = arith.constant -3.000000e+38 : f32
    %broadcast_in_dim3A_286 = vector.broadcast %broadcast_in_dim3A_285 : f32 to vector<128x112xf32>
    %swap3A = arith.constant 0 : index
    %swap3A_287 = arith.constant 0 : index
    %swap3A_288 = vector.load %arg4[%swap3A, %swap3A_287] : memref<128x112xf32, #tpu.memory_space<vmem>>, vector<128x112xf32>
    tpu.vector_store %arg4[%swap3A, %swap3A_287], %broadcast_in_dim3A_286 {strides = array<i32>} : memref<128x112xf32, #tpu.memory_space<vmem>>, vector<128x112xf32>,
    %swap3A_289 = arith.constant 0 : index
    %swap3A_290 = arith.constant 0 : index
    %swap3A_291 = vector.load %arg4[%swap3A_289, %swap3A_290] : memref<128x112xf32, #tpu.memory_space<vmem>>, vector<100x100xf32>
    tpu.vector_store %arg4[%swap3A_289, %swap3A_290], %mul3A_284 {strides = array<i32>} : memref<128x112xf32, #tpu.memory_space<vmem>>, vector<100x100xf32>,
    return
  }
}

</mosaic_0001>

<sc_bundles>
// kernel: kernel.5.cloned.1.call-start
scs
__scs_entry_jumppad:
0x0: {  	(pc) =	sbr.rel $0x88, $3  }
0x1: {  	(tag) =	ssettag $0x0;
	lr =	simm.s32 $0x1  }
0x2: {  	[smem:$0x3F9B] =	sst lr;
	_ =	strace $0xD0000000  }
0x3: {  	_ = 	snop  }
0x4: {  	_ = 	snop  }
0x5: {  	_ = 	snop  }
0x6: {  	_ = 	snop  }
0x7: {  	_ = 	snop  }
__scs_overlays_trampoline_lowered:
0x8: {  	[smem:$0x3FAA] =	sst s0  }
0x9: {  	[smem:$0x3FAB] =	sst s1  }
0xa: {  	[smem:$0x3FAC] =	sst s2  }
0xb: {  	[smem:$0x3FAD] =	sst s3  }
0xc: {  	[smem:$0x3FAE] =	sst s4  }
0xd: {  	[smem:$0x3FAF] =	sst s5  }
0xe: {  	[smem:$0x3FB0] =	sst s6  }
0xf: {  	[smem:$0x3FB1] =	sst s7  }
0x10: {  	[smem:$0x3FB2] =	sst s8  }
0x11: {  	[smem:$0x3FB3] =	sst s9;
	s0 =	simm.s32 @!p0 $0x0  }
0x12: {  	s1 =	sld [smem:$0x3F99];
	s0 =	simm.s32 @p0 $0x1  }
0x13: {  	[smem:$0x3FB4] =	sst s0;
	s0 =	simm.s32 @!p1 $0x0  }
0x14: {  	s2 =	sld [smem:$0x3F98];
	s0 =	simm.s32 @p1 $0x1  }
0x15: {  	[smem:$0x3FB5] =	sst s0;
	s0 =	simm.s32 @!p2 $0x0  }
0x16: {  	s3 =	sld [smem:$0x3FDB];
	s0 =	simm.s32 @p2 $0x1  }
0x17: {  	s4 =	simm.s32 $0x1BF5;
	[smem:$0x3FB7] =	sst s0  }
0x18: {  	s0 =	sld [smem:$0x3F9A];
	_ =	swait.ge [sflag:s4], $0x0  }
0x19: {  	s7 =	sld [smem:$0x3F9B]  }
0x1a: {  	s8 =	sadd.s32 $0xFFFFE003, lr  }
0x1b: {  	s9 =	sadd.s32 $0xFFFFFEF7, lr;
	s5 =	simm.s32 $0xFFFFFFFF;
	p2 =	slt.u32 s8, $0xFFFFF086  }
0x1c: {  	p1 =	slt.u32 s9, $0xF7A;
	s5 =	simm.s32 @!p2 $0x0  }
0x1d: {  	s5 =	simm.s32 @p1 $0x1;
	p0 =	seq.s32 s7, s2  }
0x1e: {  	s7 =	smul.u32 @!p0 $0xF7A, s2;
	p2 =	seq.s32 @!p0 s5, $0x0  }
0x1f: {  	s9 =	smul.u32 $0xF7A, s1;
	s8 =	simm.s32 @!p0 $0x1BF5;
	p2 =	por !p2, p0  }
0x20: {  	[sflag:s8] =	ssyncset.s32 @!p0 $0xFFFFF086;
	s6 =	sadd.s32 @!p0 s3, s7;
	s7 =	simm.s32 @!p0 $0x108  }
0x21: {  	s3 =	sadd.s32 s3, s9;
	s6 =	sadd.s32 @!p0 $0x88, s6;
	s7 =	simm.s32 @p2 $0x1082  }
0x22: {  	[simem:s7], [sflag:s8] =	dma.local @!p0 [hbm:s6], $0xF7A  }
0x23: {  	s9 =	sor.u32 $0xD0000000, s2;
	s6 =	simm.s32 $0x108;
	_ =	swait.ge @!p0 [sflag:s8], $0x0  }
0x24: {  	s3 =	sadd.s32 $0x88, s3;
	s6 =	simm.s32 @!p1 $0x1082;
	[sflag:s4] =	ssyncset.s32 $0xFFFFF086  }
0x25: {  	[simem:s6], [sflag:s4] =	dma.local [hbm:s3], $0xF7A  }
0x26: {  	[smem:$0x3F9B] =	sst s1;
	(tag) =	ssettag s2;
	_ =	strace s9  }
0x27: {  	s1 =	sld [smem:$0x3FAB]  }
0x28: {  	s2 =	sld [smem:$0x3FAC]  }
0x29: {  	s4 =	sld [smem:$0x3FAE]  }
0x2a: {  	p0 =	seq.s32 s5, $0x0;
	s5 =	sld [smem:$0x3FAF]  }
0x2b: {  	s6 =	sld [smem:$0x3FB0]  }
0x2c: {  	s7 =	sld [smem:$0x3FB1]  }
0x2d: {  	s3 =	simm.s32 $0x108;
	s8 =	sld [smem:$0x3FB2]  }
0x2e: {  	s3 =	simm.s32 @!p0 $0x1082;
	s9 =	sld [smem:$0x3FB3]  }
0x2f: {  	lr =	sadd.s32 s0, s3;
	s0 =	sld [smem:$0x3FAA]  }
0x30: {  	s3 =	sld [smem:$0x3FAD]  }
0x31: {  	[smem:$0x3FB6] =	sst s10  }
0x32: {  	s10 =	sld [smem:$0x3FB4];
	_ =	sdelay $0x3  }
0x33: {  	p0 =	seq.s32 s10, $0x1;
	s10 =	sld [smem:$0x3FB6];
	_ =	sdelay $0x3  }
0x34: {  	[smem:$0x3FB6] =	sst s10  }
0x35: {  	s10 =	sld [smem:$0x3FB5];
	_ =	sdelay $0x3  }
0x36: {  	p1 =	seq.s32 s10, $0x1;
	s10 =	sld [smem:$0x3FB6];
	_ =	sdelay $0x3  }
0x37: {  	[smem:$0x3FB6] =	sst s10  }
0x38: {  	s10 =	sld [smem:$0x3FB7]  }
0x39: {  	_ = 	snop;
	(pc) =	sbr.ind lr, $3  }
0x3a: {  	_ = 	snop  }
0x3b: {  	_ = 	snop  }
0x3c: {  	p2 =	seq.s32 s10, $0x1;
	s10 =	sld [smem:$0x3FB6]  }
0x3d: {  	_ =	shalt  }
0x3e: {  	_ =	shalt  }
0x3f: {  	_ =	shalt  }
0x40: {  	_ =	shalt  }
0x41: {  	_ =	shalt  }
0x42: {  	_ =	shalt  }
0x43: {  	_ =	shalt  }
0x44: {  	_ =	shalt  }
0x45: {  	_ =	shalt  }
0x46: {  	_ =	shalt  }
0x47: {  	_ =	shalt  }
0x48: {  	_ =	shalt  }
0x49: {  	_ =	shalt  }
0x4a: {  	_ =	shalt  }
0x4b: {  	_ =	shalt  }
0x4c: {  	_ =	shalt  }
0x4d: {  	_ =	shalt  }
0x4e: {  	_ =	shalt  }
0x4f: {  	_ =	shalt  }
0x50: {  	_ =	shalt  }
0x51: {  	_ =	shalt  }
0x52: {  	_ =	shalt  }
0x53: {  	_ =	shalt  }
0x54: {  	_ =	shalt  }
0x55: {  	_ =	shalt  }
0x56: {  	_ =	shalt  }
0x57: {  	_ =	shalt  }
0x58: {  	_ =	shalt  }
0x59: {  	_ =	shalt  }
0x5a: {  	_ =	shalt  }
0x5b: {  	_ =	shalt  }
0x5c: {  	_ =	shalt  }
0x5d: {  	_ =	shalt  }
0x5e: {  	_ =	shalt  }
0x5f: {  	_ =	shalt  }
0x60: {  	_ =	shalt  }
0x61: {  	_ =	shalt  }
0x62: {  	_ =	shalt  }
0x63: {  	_ =	shalt  }
0x64: {  	_ =	shalt  }
0x65: {  	_ =	shalt  }
0x66: {  	_ =	shalt  }
0x67: {  	_ =	shalt  }
0x68: {  	_ =	shalt  }
0x69: {  	_ =	shalt  }
0x6a: {  	_ =	shalt  }
0x6b: {  	_ =	shalt  }
0x6c: {  	_ =	shalt  }
0x6d: {  	_ =	shalt  }
0x6e: {  	_ =	shalt  }
0x6f: {  	_ =	shalt  }
0x70: {  	_ =	shalt  }
0x71: {  	_ =	shalt  }
0x72: {  	_ =	shalt  }
0x73: {  	_ =	shalt  }
0x74: {  	_ =	shalt  }
0x75: {  	_ =	shalt  }
0x76: {  	_ =	shalt  }
0x77: {  	_ =	shalt  }
0x78: {  	_ =	shalt  }
0x79: {  	_ =	shalt  }
0x7a: {  	_ =	shalt  }
0x7b: {  	_ =	shalt  }
0x7c: {  	_ =	shalt  }
0x7d: {  	_ =	shalt  }
0x7e: {  	_ =	shalt  }
0x7f: {  	_ =	shalt  }
0x80: {  	_ =	shalt  }
0x81: {  	_ =	shalt  }
0x82: {  	_ =	shalt  }
0x83: {  	_ =	shalt  }
0x84: {  	_ =	shalt  }
0x85: {  	_ =	shalt  }
0x86: {  	_ =	shalt  }
0x87: {  	_ =	shalt  }
.Lfunc_end0:
.L_simem_size_0:
called_computation_lowered:
.L_overlay_start_0:
0x88: {  	s2 =	sld [smem:$0x3FD9]  }
0x89: {  	s3 =	sld [smem:$0x3FFE];
	_ =	sdelay $0x1  }
0x8a: {  	s1 =	srdreg.scid  }
0x8b: {  	s0 =	sand.u32 $0x1, s1  }
0x8c: {  	s16 =	sshll.u32 s0, $0xA;
	s2 =	sadd.s32 s3, s2  }
0x8d: {  	s2 =	sadd.s32 s2, s16  }
0x8e: {  	[smem:$0x3FC2] =	sst s2  }
0x8f: {  	_ = 	snop  }
0x90: {  	(tm) =	ssettm $0x1  }
0x91: {  	s17 =	sld [smem:$0x3FFB];
	_ =	sdelay $0x3  }
0x92: {  	_ =	strace s17  }
0x93: {  	s2 =	sld [smem:$0x3FFC];
	_ =	sdelay $0x3  }
0x94: {  	_ =	strace s2  }
0x95: {  	s2 =	sld [smem:$0x3FFD];
	_ =	sdelay $0x3  }
0x96: {  	_ =	strace s2  }
0x97: {  	_ =	strace $0x8FFFFFFF  }
0x98: {  	s18 =	sld [smem:$0x3FDB];
	_ =	sdelay $0x1  }
0x99: {  	s19 =	simm.s32 $_scs_section_size  }
0x9a: {  	s4 =	simm.s32 $_size__tile_overlayer_lowered;
	s5 =	simm.s32 $_tile_overlayer_lowered  }
0x9b: {  	s22 =	simm.s32 $0x1BFF;
	s21 =	sshll.u32 s5, $0x1;
	s2 =	sadd.s32 s19, s18  }
0x9c: {  	s6 =	simm.s32 $0x0;
	s20 =	sshll.u32 s4, $0x1;
	s4 =	sadd.s32 s21, s2  }
0x9d: {  	[timem:s6], [sflag:s22] =	dma.local [hbm:s4], s20  }
0x9e: {  	_ =	swait.ge [sflag:s22], s20  }
0x9f: {  	s3 =	ssub.s32 $0x0, s20;
	[sflag:s22] =	ssyncset.done $0x0  }
0xa0: {  	[sflag:s22] =	ssyncadd.s32 s3;
	_ =	sdelay $0x1  }
0xa1: {  	s23 =	simm.s32 $0x1B8B  }
0xa2: {  	_ =	swait.ge [sflag:s23], $0x1  }
0xa3: {  	[sflag:s23] =	ssyncset.done $0x0  }
0xa4: {  	s25 =	simm.s32 $0x1B8E;
	s24 =	sld [smem:$0x3FFE];
	[sflag:s23] =	ssyncadd.s32 $0xFFFFFFFF  }
0xa5: {  	s26 =	simm.s32 $execute0_lowered;
	[smem:$0x3FD2] =	sst s25  }
0xa6: {  	s4 =	sshll.u32 s26, $0x1;
	_ =	strace $0x80000046;
	[dreg:$0x1] =	wrdreg $0xFFFFFFFF  }
0xa7: {  	s28 =	simm.s32 $_size_execute0_lowered;
	s2 =	sadd.s32 s2, s4;
	[dreg:$0x0] =	wrdreg $0x0  }
0xa8: {  	s4 =	sshll.u32 s28, $0x1;
	[dreg:$0x2] =	wrdreg s2  }
0xa9: {  	[dreg:$0x3] =	wrdreg s4  }
0xaa: {  	[dreg:$0x4] =	wrdreg $0xC0  }
0xab: {  	_ =	task [dreg:s6], $0x5FFFF  }
0xac: {  	[dreg:$0x1] =	wrdreg $0xFFFFFFFF  }
0xad: {  	[dreg:$0x0] =	wrdreg $0x60  }
0xae: {  	[dreg:$0x2] =	wrdreg s24  }
0xaf: {  	[dreg:$0x3] =	wrdreg $0x9  }
0xb0: {  	_ =	task.clear_ibuf [dreg:s6], $0x4FFFF;
	_ =	strace $0x90000046  }
0xb1: {  	s29 =	simm.s32 $0x9;
	_ =	strace $0x80000048  }
0xb2: {  	_ =	swait.ge [sflag:s29], $0x1  }
0xb3: {  	[sflag:s29] =	ssyncadd.s32 $0xFFFFFFFF  }
0xb4: {  	_ =	strace $0x90000048  }
0xb5: {  	_ =	sfence  }
0xb6: {  	s30 =	sld [smem:$0x0];
	_ =	sdelay $0x2  }
0xb7: {  	s31 =	sshll.u32 s1, $0xD;
	s1 =	sshrl.u32 s1, $0x2  }
0xb8: {  	s3 =	sand.u32 $0x4000, s31;
	s1 =	sadd.s32 s1, s30  }
0xb9: {  	s0 =	sor.u32 s3, s0;
	s1 =	sshll.u32 s1, $0x11  }
0xba: {  	s0 =	sor.u32 s1, s0  }
0xbb: {  	s0 =	sadd.s32 $0x8F2B, s0  }
0xbc: {  	[sflag:s0] =	ssyncadd.remote.s32 $0x1  }
0xbd: {  	_ =	sfence.sel $0xFFFF  }
0xbe: {  	[dreg:$0x0] =	wrdreg $0xFFFFFFFF;
	(pc) =	sbr.abs _section_cstart, $3  }
0xbf: {  	[dreg:$0x1] =	wrdreg $0xFFFFFFFF  }
0xc0: {  	_ =	task.clear_ibuf [dreg:s6], $0x2FFFF;
	_ =	strace $0x9FFFFFFF  }
0xc1: {  	(tm) =	ssettm $0x7FFFFFFF  }
tec
execute0_lowered:
.L_overlay_start_1:
0x0: {  	(tag) =	ssettag $0x1  }
0x1: {  	s1 =	srdreg.scid  }
0x2: {  	s0 =	stileid.u32;
	s6 =	sand.u32 $0x1, s1  }
0x3: {  	s3 =	rddreg [dreg:$0x0];
	s4 =	sshll.u32 s0, $0x7;
	s5 =	sshll.u32 s6, $0x6  }
0x4: {  	s2 =	simm.s32 $0x0;
	s1 =	rddreg [dreg:$0x1];
	s4 =	sor.u32 s5, s4  }
0x5: {  	[smem:$0x7FF] =	sst s2;
	s5 =	sadd.s32 s4, s3  }
0x6: {  	_ =	strace $0x80000047;
	s3 =	simm.s32 $0x1;
	s4 =	sadd.s32 $0x1400, s5  }
0x7: {  	[tilespmem:s2], [sflag:$0x1] =	stream.linear.gather [hbm4b:s4+s2], $0x200, $0x38;
	[tilespmem:$0x400] =	vst v63  }
0x8: {  	_ =	swait.ge [sflag:s3], $0x200  }
0x9: {  	[sflag:s3] =	ssyncset.done $0x0  }
0xa: {  	[sflag:s3] =	ssyncadd.s32 $0xFFFFFE00  }
0xb: {  	v7 =	vld [tilespmem:$0x190]  }
0xc: {  	v1 =	vld [tilespmem:$0x90]  }
0xd: {  	v12 =	vld [tilespmem:$0x180]  }
0xe: {  	v3 =	vld [tilespmem:$0x80];
	_ =	sdelay $0x1  }
0xf: {  	v9 =	vld [tilespmem:$0x110];
	(xrf1) =	vsort.ascd.msk.f32 $0xffff, v7, v7  }
0x10: {  	(xrf1) =	vsort.ascd.msk.f32 $0xffff, v1, v1  }
0x11: {  	v11 =	vld [tilespmem:$0x100];
	(xrf1) =	vsort.ascd.msk.f32 $0xffff, v12, v12  }
0x12: {  	(xrf1) =	vsort.ascd.msk.f32 $0xffff, v3, v3  }
0x13: {  	v0 =	vld [tilespmem:$0x10]  }
0x14: {  	v2 =	vld [tilespmem:$0xA0];
	(xrf1) =	vsort.ascd.msk.f32 $0xffff, v9, v9  }
0x15: {  	v5 =	vld [tilespmem:$0x0]  }
0x16: {  	(xrf1) =	vsort.ascd.msk.f32 $0xffff, v11, v11;
	_ =	sdelay $0x1  }
0x17: {  	(xrf1) =	vsort.ascd.msk.f32 $0xffff, v0, v0  }
0x18: {  	(xrf1) =	vsort.ascd.msk.f32 $0xffff, v2, v2  }
0x19: {  	v4 =	vlaneseq.u32;
	v8 =	vld [tilespmem:$0x1A0];
	(xrf1) =	vsort.ascd.msk.f32 $0xffff, v5, v5  }
0x1a: {  	v6 =	vmul.u32 $0xFFFFFFFF, v4;
	v4 =	vld [tilespmem:$0x20];
	_ =	sdelay $0x1  }
0x1b: {  	v6 =	vadd.s32 $0xF, v6;
	v10, _, _ =	vpop (xrf1)  }
0x1c: {  	v10 =	vperm.xlane v10, v6;
	v14, _, _ =	vpop (xrf1)  }
0x1d: {  	v13 =	vld [tilespmem:$0x120];
	(xrf1) =	vsort.ascd.msk.f32 $0xffff, v8, v8;
	v14 =	vperm.xlane v14, v6;
	v15, _, _ =	vpop (xrf1)  }
0x1e: {  	(xrf1) =	vsort.ascd.msk.f32 $0xffff, v4, v4;
	v10 =	vmax.f32 v15, v10;
	v15, _, _ =	vpop (xrf1)  }
0x1f: {  	v14 =	vmax.f32 v15, v14;
	(xrf1) =	vsort.ascd.msk.f32 $0xffff, v10, v10  }
0x20: {  	v15, _, _ =	vpop (xrf1);
	(xrf1) =	vsort.ascd.msk.f32 $0xffff, v14, v14  }
0x21: {  	v10 =	vperm.xlane v15, v6  }
0x22: {  	v14, _, _ =	vpop (xrf1);
	(xrf1) =	vsort.ascd.msk.f32 $0xffff, v13, v13  }
0x23: {  	v10 =	vmax.f32 v14, v10  }
0x24: {  	v14, _, _ =	vpop (xrf1);
	(xrf1) =	vsort.ascd.msk.f32 $0xffff, v10, v10  }
0x25: {  	v14 =	vperm.xlane v14, v6;
	v16, _, _ =	vpop (xrf1)  }
0x26: {  	v10, _, _ =	vpop (xrf1)  }
0x27: {  	v10 =	vmax.f32 v10, v14  }
0x28: {  	v18 =	vld [tilespmem:$0x1B0];
	(xrf1) =	vsort.ascd.msk.f32 $0xffff, v10, v10  }
0x29: {  	v10 =	vld [tilespmem:$0xB0];
	_ =	sdelay $0x1  }
0x2a: {  	v14, _, _ =	vpop (xrf1)  }
0x2b: {  	v15 =	vld [tilespmem:$0x130];
	v14 =	vperm.xlane v14, v6;
	v17, _, _ =	vpop (xrf1)  }
0x2c: {  	v16 =	vperm.xlane v16, v6;
	(xrf1) =	vsort.ascd.msk.f32 $0xffff, v18, v18;
	v19, _, _ =	vpop (xrf1)  }
0x2d: {  	(xrf1) =	vsort.ascd.msk.f32 $0xffff, v10, v10;
	v19 =	vmax.f32 v19, v14;
	v20, _, _ =	vpop (xrf1)  }
0x2e: {  	v16 =	vmax.f32 v20, v16;
	(xrf1) =	vsort.ascd.msk.f32 $0xffff, v19, v19  }
0x2f: {  	v20, _, _ =	vpop (xrf1);
	(xrf1) =	vsort.ascd.msk.f32 $0xffff, v16, v16  }
0x30: {  	v14 =	vld [tilespmem:$0x30];
	v19 =	vperm.xlane v20, v6;
	(xrf1) =	vsort.ascd.msk.f32 $0xffff, v15, v15  }
0x31: {  	v16, _, _ =	vpop (xrf1)  }
0x32: {  	v16 =	vmax.f32 v16, v19  }
0x33: {  	(xrf1) =	vsort.ascd.msk.f32 $0xffff, v16, v16  }
0x34: {  	v17 =	vperm.xlane v17, v6  }
0x35: {  	(xrf1) =	vsort.ascd.msk.f32 $0xffff, v14, v14;
	v16, _, _ =	vpop (xrf1)  }
0x36: {  	v16 =	vmax.f32 v16, v17  }
0x37: {  	v20 =	vld [tilespmem:$0x1C0];
	(xrf1) =	vsort.ascd.msk.f32 $0xffff, v16, v16  }
0x38: {  	v16 =	vld [tilespmem:$0xC0];
	_ =	sdelay $0x1  }
0x39: {  	v17, _, _ =	vpop (xrf1)  }
0x3a: {  	v17 =	vperm.xlane v17, v6;
	v19, _, _ =	vpop (xrf1)  }
0x3b: {  	v21 =	vld [tilespmem:$0x140];
	(xrf1) =	vsort.ascd.msk.f32 $0xffff, v20, v20;
	v19 =	vperm.xlane v19, v6;
	v22, _, _ =	vpop (xrf1)  }
0x3c: {  	(xrf1) =	vsort.ascd.msk.f32 $0xffff, v16, v16;
	v22 =	vmax.f32 v22, v17;
	v23, _, _ =	vpop (xrf1)  }
0x3d: {  	v19 =	vmax.f32 v23, v19;
	v23, _, _ =	vpop (xrf1);
	(xrf1) =	vsort.ascd.msk.f32 $0xffff, v22, v22  }
0x3e: {  	v22 =	vperm.xlane v23, v6;
	(xrf1) =	vsort.ascd.msk.f32 $0xffff, v19, v19  }
0x3f: {  	v17 =	vld [tilespmem:$0x40]  }
0x40: {  	(xrf1) =	vsort.ascd.msk.f32 $0xffff, v21, v21;
	v19, _, _ =	vpop (xrf1)  }
0x41: {  	v19 =	vmax.f32 v19, v22  }
0x42: {  	v22, _, _ =	vpop (xrf1);
	(xrf1) =	vsort.ascd.msk.f32 $0xffff, v19, v19  }
0x43: {  	v22 =	vperm.xlane v22, v6  }
0x44: {  	(xrf1) =	vsort.ascd.msk.f32 $0xffff, v17, v17;
	v19, _, _ =	vpop (xrf1)  }
0x45: {  	v19 =	vmax.f32 v19, v22  }
0x46: {  	v26 =	vld [tilespmem:$0x1D0];
	(xrf1) =	vsort.ascd.msk.f32 $0xffff, v19, v19  }
0x47: {  	v19 =	vld [tilespmem:$0xD0];
	_ =	sdelay $0x1  }
0x48: {  	v22, _, _ =	vpop (xrf1)  }
0x49: {  	v22 =	vperm.xlane v22, v6;
	v23, _, _ =	vpop (xrf1)  }
0x4a: {  	v24 =	vld [tilespmem:$0x150];
	(xrf1) =	vsort.ascd.msk.f32 $0xffff, v26, v26;
	v27 =	vperm.xlane v23, v6;
	v25, _, _ =	vpop (xrf1)  }
0x4b: {  	(xrf1) =	vsort.ascd.msk.f32 $0xffff, v19, v19;
	v28, _, _ =	vpop (xrf1);
	v22 =	vmax.f32 v25, v22  }
0x4c: {  	v27 =	vmax.f32 v28, v27;
	(xrf1) =	vsort.ascd.msk.f32 $0xffff, v22, v22  }
0x4d: {  	v25, _, _ =	vpop (xrf1);
	(xrf1) =	vsort.ascd.msk.f32 $0xffff, v27, v27  }
0x4e: {  	v23 =	vld [tilespmem:$0x50];
	v22 =	vperm.xlane v25, v6  }
0x4f: {  	(xrf1) =	vsort.ascd.msk.f32 $0xffff, v24, v24;
	v25, _, _ =	vpop (xrf1)  }
0x50: {  	v22 =	vmax.f32 v25, v22  }
0x51: {  	v25, _, _ =	vpop (xrf1);
	(xrf1) =	vsort.ascd.msk.f32 $0xffff, v22, v22  }
0x52: {  	v25 =	vperm.xlane v25, v6  }
0x53: {  	(xrf1) =	vsort.ascd.msk.f32 $0xffff, v23, v23;
	v22, _, _ =	vpop (xrf1)  }
0x54: {  	v22 =	vmax.f32 v22, v25  }
0x55: {  	(xrf1) =	vsort.ascd.msk.f32 $0xffff, v22, v22  }
0x56: {  	v28 =	vld [tilespmem:$0x1E0]  }
0x57: {  	v22 =	vld [tilespmem:$0xE0]  }
0x58: {  	v25, _, _ =	vpop (xrf1)  }
0x59: {  	v29, _, _ =	vpop (xrf1)  }
0x5a: {  	v27 =	vld [tilespmem:$0x160];
	v25 =	vperm.xlane v25, v6;
	v29 =	vperm.xlane v29, v6;
	v30, _, _ =	vpop (xrf1)  }
0x5b: {  	(xrf1) =	vsort.ascd.msk.f32 $0xffff, v28, v28;
	v31, _, _ =	vpop (xrf1)  }
0x5c: {  	(xrf1) =	vsort.ascd.msk.f32 $0xffff, v22, v22;
	v30 =	vmax.f32 v30, v25;
	v29 =	vmax.f32 v31, v29  }
0x5d: {  	v31, _, _ =	vpop (xrf1);
	(xrf1) =	vsort.ascd.msk.f32 $0xffff, v30, v30  }
0x5e: {  	v25 =	vld [tilespmem:$0x60];
	v30 =	vperm.xlane v31, v6;
	(xrf1) =	vsort.ascd.msk.f32 $0xffff, v29, v29  }
0x5f: {  	(xrf1) =	vsort.ascd.msk.f32 $0xffff, v27, v27;
	v29, _, _ =	vpop (xrf1)  }
0x60: {  	v29 =	vmax.f32 v29, v30  }
0x61: {  	v31, _, _ =	vpop (xrf1);
	(xrf1) =	vsort.ascd.msk.f32 $0xffff, v29, v29  }
0x62: {  	v30 =	vperm.xlane v31, v6  }
0x63: {  	(xrf1) =	vsort.ascd.msk.f32 $0xffff, v25, v25;
	v29, _, _ =	vpop (xrf1)  }
0x64: {  	v29 =	vmax.f32 v29, v30  }
0x65: {  	(xrf1) =	vsort.ascd.msk.f32 $0xffff, v29, v29;
	_ =	sdelay $0x3  }
0x66: {  	v29, _, _ =	vpop (xrf1)  }
0x67: {  	s6 =	ssub.s32 $0x2, s6;
	v30, _, _ =	vpop (xrf1);
	v29 =	vperm.xlane v29, v6  }
0x68: {  	s7 =	sshrl.u32 s6, $0x1;
	v31, _, _ =	vpop (xrf1)  }
0x69: {  	s6 =	ssub.s32 s6, s7;
	v30 =	vperm.xlane v30, v6;
	v32, _, _ =	vpop (xrf1);
	v29 =	vmax.f32 v31, v29  }
0x6a: {  	s7 =	smax.u32 s6, $0x1;
	v33, _, _ =	vpop (xrf1)  }
0x6b: {  	p0 =	sne.s32 s7, $0x1;
	v30 =	vmax.f32 v32, v30;
	(xrf1) =	vsort.ascd.msk.f32 $0xffff, v29, v29;
	v31 =	vperm.xlane v33, v6  }
.Ltmp0:
0x6c: {  	(xrf1) =	vsort.ascd.msk.f32 $0xffff, v30, v30;
	v29, _, _ =	vpop (xrf1);
	(pc) =	sbr.rel @!p0 .LBB2_2-.Ltmp0, $4  }
0x6d: {  	v30 =	vmax.f32 v29, v31  }
0x6e: {  	v29, _, _ =	vpop (xrf1)  }
0x6f: {  	v29 =	vperm.xlane v29, v6;
	(xrf1) =	vsort.ascd.msk.f32 $0xffff, v30, v30  }
0x70: {  	vm0 =	vcmask $0x171C;
	s5 =	sadd.s32 $0x1C00, s5;
	s6 =	simm.s32 $0x200;
	s7 =	sadd.s32 $0xFFFFFFFF, s7;
	v30, _, _ =	vpop (xrf1)  }
.LBB2_1:
0x71: {  	p0 =	sne.s32 s7, $0x1;
	s7 =	sadd.s32 $0xFFFFFFFF, s7;
	v29 =	vmax.f32 v30, v29  }
0x72: {  	(xrf1) =	vsort.ascd.msk.f32 $0xffff, v29, v29;
	_ =	sdelay $0x6  }
0x73: {  	v29, _, _ =	vpop (xrf1)  }
0x74: {  	v29 =	vsel vm0, $0x0, v29;
	v30, _, _ =	vpop (xrf1)  }
0x75: {  	v30 =	vsel vm0, $0x0, v30;
	(xrf2) =	vadd.scan.msk.f32 $0xffff, v29;
	_ =	sdelay $0x1  }
0x76: {  	v29, _, _ =	vpop (xrf1)  }
0x77: {  	v31 =	vsel vm0, $0x0, v29  }
0x78: {  	(xrf2) =	vadd.scan.msk.f32 $0xffff, v31  }
0x79: {  	v29, _, _ =	vpop (xrf1)  }
0x7a: {  	v29 =	vsel vm0, $0x0, v29  }
0x7b: {  	(xrf2) =	vadd.scan.msk.f32 $0xffff, v29;
	_ =	sdelay $0x2  }
0x7c: {  	(xrf2) =	vadd.scan.msk.f32 $0xffff, v30;
	v29, _, _ =	vpop (xrf2)  }
0x7d: {  	v29 =	vbroadcast v29, $0xF;
	_ =	sdelay $0x1  }
0x7e: {  	vm4 =	vge.f32 v12, v29;
	vm1 =	vge.f32 v7, v29;
	vm2 =	vge.f32 v8, v29  }
0x7f: {  	vm5 =	vge.f32 v18, v29;
	vm3 =	vge.f32 v20, v29;
	vm6 =	vge.f32 v26, v29;
	v30, _, _ =	vpop (xrf2)  }
0x80: {  	v31 =	vnsel vm6, $0x0, v26;
	vm6 =	vge.f32 v28, v29;
	v30 =	vbroadcast v30, $0xF  }
0x81: {  	v12 =	vnsel vm4, $0x0, v12;
	v18 =	vnsel vm5, $0x0, v18;
	v28 =	vnsel vm6, $0x0, v28;
	[tilespmem:$0x3D0] =	vst v31  }
0x82: {  	vm4 =	vge.f32 v11, v30;
	vm5 =	vge.f32 v9, v30;
	vm6 =	vge.f32 v13, v30;
	[tilespmem:$0x3E0] =	vst v28;
	v26, _, _ =	vpop (xrf2)  }
0x83: {  	vm7 =	vge.f32 v15, v30;
	vm8 =	vge.f32 v21, v30;
	vm9 =	vge.f32 v24, v30;
	[tilespmem:$0x380] =	vst v12  }
0x84: {  	v11 =	vnsel vm4, $0x0, v11;
	v9 =	vnsel vm5, $0x0, v9;
	vm4 =	vge.f32 v27, v30;
	[tilespmem:$0x3B0] =	vst v18  }
0x85: {  	v12 =	vnsel vm8, $0x0, v21;
	[tilespmem:$0x300] =	vst v11;
	v11 =	vnsel vm7, $0x0, v15;
	v15 =	vnsel vm4, $0x0, v27;
	v18, _, _ =	vpop (xrf2)  }
0x86: {  	v13 =	vnsel vm6, $0x0, v13;
	v21 =	vnsel vm9, $0x0, v24;
	[tilespmem:$0x360] =	vst v15;
	v15 =	vnsel vm3, $0x0, v20  }
0x87: {  	v7 =	vnsel vm1, $0x0, v7;
	v8 =	vnsel vm2, $0x0, v8;
	v20 =	vbroadcast v26, $0xF;
	[tilespmem:$0x350] =	vst v21  }
0x88: {  	v18 =	vbroadcast v18, $0xF;
	[tilespmem:$0x340] =	vst v12  }
0x89: {  	vm1 =	vge.f32 v5, v20;
	vm2 =	vge.f32 v0, v20;
	vm3 =	vge.f32 v4, v20;
	[tilespmem:$0x310] =	vst v9  }
0x8a: {  	vm4 =	vge.f32 v14, v20;
	vm5 =	vge.f32 v17, v20;
	vm6 =	vge.f32 v23, v20;
	[tilespmem:$0x320] =	vst v13  }
0x8b: {  	v5 =	vnsel vm1, $0x0, v5;
	v9 =	vnsel vm6, $0x0, v23;
	vm1 =	vge.f32 v25, v20;
	[tilespmem:$0x3C0] =	vst v15  }
0x8c: {  	v0 =	vnsel vm2, $0x0, v0;
	v12 =	vnsel vm5, $0x0, v17;
	v13 =	vnsel vm1, $0x0, v25;
	[tilespmem:$0x390] =	vst v7  }
0x8d: {  	v4 =	vnsel vm3, $0x0, v4;
	vm2 =	vge.f32 v1, v18;
	vm1 =	vge.f32 v3, v18;
	[tilespmem:$0x3A0] =	vst v8  }
0x8e: {  	v1 =	vnsel vm2, $0x0, v1;
	v3 =	vnsel vm1, $0x0, v3;
	vm1 =	vge.f32 v2, v18;
	[tilespmem:$0x250] =	vst v9  }
0x8f: {  	v7 =	vnsel vm4, $0x0, v14;
	v2 =	vnsel vm1, $0x0, v2;
	vm1 =	vge.f32 v10, v18;
	[tilespmem:$0x280] =	vst v3  }
0x90: {  	vm2 =	vge.f32 v19, v18;
	[tilespmem:$0x290] =	vst v1;
	v1 =	vnsel vm1, $0x0, v10;
	vm1 =	vge.f32 v16, v18  }
0x91: {  	v8 =	vnsel vm2, $0x0, v19;
	[tilespmem:$0x260] =	vst v13;
	v3 =	vnsel vm1, $0x0, v16;
	vm1 =	vge.f32 v22, v18  }
0x92: {  	[tilespmem:$0x2C0] =	vst v3;
	v3 =	vnsel vm1, $0x0, v22  }
0x93: {  	[tilespmem:$0x2A0] =	vst v2  }
0x94: {  	[tilespmem:$0x2D0] =	vst v8  }
0x95: {  	[tilespmem:$0x2B0] =	vst v1  }
0x96: {  	[tilespmem:$0x200] =	vst v5  }
0x97: {  	[tilespmem:$0x230] =	vst v7  }
0x98: {  	[tilespmem:$0x330] =	vst v11  }
0x99: {  	[tilespmem:$0x2E0] =	vst v3  }
0x9a: {  	[tilespmem:$0x240] =	vst v12  }
0x9b: {  	[tilespmem:$0x220] =	vst v4  }
0x9c: {  	[tilespmem:$0x210] =	vst v0  }
0x9d: {  	[hbm4b:s5+s2] =	stream.linear.scatter [tilespmem:s6], [sflag:$0x1], $0x200, $0x38;
	[tilespmem:$0x400] =	vst v63  }
0x9e: {  	_ =	swait.ge [sflag:s3], $0x200  }
0x9f: {  	[sflag:s3] =	ssyncset.done $0x0  }
0xa0: {  	[sflag:s3] =	ssyncadd.s32 $0xFFFFFE00  }
0xa1: {  	[tilespmem:s2], [sflag:$0x1] =	stream.linear.gather [hbm4b:s4+s2], $0x200, $0x38;
	[tilespmem:$0x400] =	vst v63  }
0xa2: {  	_ =	swait.ge [sflag:s3], $0x200  }
0xa3: {  	[sflag:s3] =	ssyncset.done $0x0  }
0xa4: {  	[sflag:s3] =	ssyncadd.s32 $0xFFFFFE00  }
0xa5: {  	v7 =	vld [tilespmem:$0x190]  }
0xa6: {  	v1 =	vld [tilespmem:$0x90]  }
0xa7: {  	v12 =	vld [tilespmem:$0x180]  }
0xa8: {  	v3 =	vld [tilespmem:$0x80]  }
0xa9: {  	v9 =	vld [tilespmem:$0x110]  }
0xaa: {  	v2 =	vld [tilespmem:$0xA0];
	(xrf1) =	vsort.ascd.msk.f32 $0xffff, v7, v7  }
0xab: {  	v11 =	vld [tilespmem:$0x100];
	(xrf1) =	vsort.ascd.msk.f32 $0xffff, v1, v1  }
0xac: {  	v0 =	vld [tilespmem:$0x10];
	(xrf1) =	vsort.ascd.msk.f32 $0xffff, v12, v12  }
0xad: {  	(xrf1) =	vsort.ascd.msk.f32 $0xffff, v3, v3  }
0xae: {  	v5 =	vld [tilespmem:$0x0];
	(xrf1) =	vsort.ascd.msk.f32 $0xffff, v9, v9  }
0xaf: {  	v8 =	vld [tilespmem:$0x1A0]  }
0xb0: {  	(xrf1) =	vsort.ascd.msk.f32 $0xffff, v11, v11  }
0xb1: {  	(xrf1) =	vsort.ascd.msk.f32 $0xffff, v0, v0  }
0xb2: {  	(xrf1) =	vsort.ascd.msk.f32 $0xffff, v2, v2  }
0xb3: {  	v4 =	vld [tilespmem:$0x20];
	(xrf1) =	vsort.ascd.msk.f32 $0xffff, v5, v5  }
0xb4: {  	(xrf1) =	vsort.ascd.msk.f32 $0xffff, v8, v8;
	_ =	sdelay $0x3  }
0xb5: {  	(xrf1) =	vsort.ascd.msk.f32 $0xffff, v4, v4;
	v10, _, _ =	vpop (xrf1)  }
0xb6: {  	v13 =	vld [tilespmem:$0x120];
	v10 =	vperm.xlane v10, v6;
	v14, _, _ =	vpop (xrf1)  }
0xb7: {  	v14 =	vperm.xlane v14, v6;
	v15, _, _ =	vpop (xrf1)  }
0xb8: {  	v10 =	vmax.f32 v15, v10;
	v15, _, _ =	vpop (xrf1)  }
0xb9: {  	v16 =	vmax.f32 v15, v14;
	v15, _, _ =	vpop (xrf1);
	(xrf1) =	vsort.ascd.msk.f32 $0xffff, v10, v10  }
0xba: {  	v10 =	vperm.xlane v15, v6;
	(xrf1) =	vsort.ascd.msk.f32 $0xffff, v16, v16  }
0xbb: {  	v14, _, _ =	vpop (xrf1);
	(xrf1) =	vsort.ascd.msk.f32 $0xffff, v13, v13  }
0xbc: {  	v17 =	vmax.f32 v14, v10;
	v14, _, _ =	vpop (xrf1)  }
0xbd: {  	v18 =	vperm.xlane v14, v6;
	v15, _, _ =	vpop (xrf1);
	(xrf1) =	vsort.ascd.msk.f32 $0xffff, v17, v17  }
0xbe: {  	v16 =	vperm.xlane v15, v6;
	v10, _, _ =	vpop (xrf1)  }
0xbf: {  	v10 =	vmax.f32 v10, v18;
	v14, _, _ =	vpop (xrf1)  }
0xc0: {  	v14 =	vperm.xlane v14, v6;
	(xrf1) =	vsort.ascd.msk.f32 $0xffff, v10, v10;
	_ =	sdelay $0x1  }
0xc1: {  	v18 =	vld [tilespmem:$0x1B0]  }
0xc2: {  	v10 =	vld [tilespmem:$0xB0];
	v15, _, _ =	vpop (xrf1)  }
0xc3: {  	v17 =	vperm.xlane v15, v6;
	_ =	sdelay $0x1  }
0xc4: {  	v15 =	vld [tilespmem:$0x130]  }
0xc5: {  	v19, _, _ =	vpop (xrf1);
	(xrf1) =	vsort.ascd.msk.f32 $0xffff, v18, v18  }
0xc6: {  	v19 =	vmax.f32 v19, v14;
	v20, _, _ =	vpop (xrf1);
	(xrf1) =	vsort.ascd.msk.f32 $0xffff, v10, v10  }
0xc7: {  	v14 =	vld [tilespmem:$0x30];
	v21 =	vmax.f32 v20, v16;
	v20, _, _ =	vpop (xrf1);
	(xrf1) =	vsort.ascd.msk.f32 $0xffff, v19, v19  }
0xc8: {  	v19 =	vperm.xlane v20, v6;
	(xrf1) =	vsort.ascd.msk.f32 $0xffff, v21, v21  }
0xc9: {  	v16, _, _ =	vpop (xrf1);
	(xrf1) =	vsort.ascd.msk.f32 $0xffff, v15, v15  }
0xca: {  	v19 =	vmax.f32 v16, v19  }
0xcb: {  	(xrf1) =	vsort.ascd.msk.f32 $0xffff, v19, v19  }
0xcc: {  	v16, _, _ =	vpop (xrf1);
	(xrf1) =	vsort.ascd.msk.f32 $0xffff, v14, v14  }
0xcd: {  	v16 =	vmax.f32 v16, v17  }
0xce: {  	(xrf1) =	vsort.ascd.msk.f32 $0xffff, v16, v16;
	_ =	sdelay $0x1  }
0xcf: {  	v20 =	vld [tilespmem:$0x1C0]  }
0xd0: {  	v16 =	vld [tilespmem:$0xC0];
	_ =	sdelay $0x1  }
0xd1: {  	v17, _, _ =	vpop (xrf1)  }
0xd2: {  	v21 =	vld [tilespmem:$0x140];
	v17 =	vperm.xlane v17, v6;
	v19, _, _ =	vpop (xrf1)  }
0xd3: {  	v19 =	vperm.xlane v19, v6;
	v22, _, _ =	vpop (xrf1);
	(xrf1) =	vsort.ascd.msk.f32 $0xffff, v20, v20  }
0xd4: {  	v22 =	vmax.f32 v22, v17;
	v23, _, _ =	vpop (xrf1);
	(xrf1) =	vsort.ascd.msk.f32 $0xffff, v16, v16  }
0xd5: {  	v17 =	vld [tilespmem:$0x40];
	v24 =	vmax.f32 v23, v19;
	v23, _, _ =	vpop (xrf1);
	(xrf1) =	vsort.ascd.msk.f32 $0xffff, v22, v22  }
0xd6: {  	v23 =	vperm.xlane v23, v6;
	(xrf1) =	vsort.ascd.msk.f32 $0xffff, v24, v24  }
0xd7: {  	v19, _, _ =	vpop (xrf1);
	(xrf1) =	vsort.ascd.msk.f32 $0xffff, v21, v21  }
0xd8: {  	v23 =	vmax.f32 v19, v23;
	v22, _, _ =	vpop (xrf1)  }
0xd9: {  	v22 =	vperm.xlane v22, v6;
	(xrf1) =	vsort.ascd.msk.f32 $0xffff, v23, v23  }
0xda: {  	v19, _, _ =	vpop (xrf1);
	(xrf1) =	vsort.ascd.msk.f32 $0xffff, v17, v17  }
0xdb: {  	v19 =	vmax.f32 v19, v22  }
0xdc: {  	(xrf1) =	vsort.ascd.msk.f32 $0xffff, v19, v19;
	_ =	sdelay $0x1  }
0xdd: {  	v26 =	vld [tilespmem:$0x1D0]  }
0xde: {  	v19 =	vld [tilespmem:$0xD0];
	_ =	sdelay $0x1  }
0xdf: {  	v22, _, _ =	vpop (xrf1)  }
0xe0: {  	v24 =	vld [tilespmem:$0x150];
	v22 =	vperm.xlane v22, v6;
	v23, _, _ =	vpop (xrf1)  }
0xe1: {  	v25 =	vperm.xlane v23, v6;
	v23, _, _ =	vpop (xrf1);
	(xrf1) =	vsort.ascd.msk.f32 $0xffff, v26, v26  }
0xe2: {  	v22 =	vmax.f32 v23, v22;
	v27, _, _ =	vpop (xrf1);
	(xrf1) =	vsort.ascd.msk.f32 $0xffff, v19, v19  }
0xe3: {  	v23 =	vld [tilespmem:$0x50];
	v28 =	vmax.f32 v27, v25;
	v27, _, _ =	vpop (xrf1);
	(xrf1) =	vsort.ascd.msk.f32 $0xffff, v22, v22  }
0xe4: {  	v22 =	vperm.xlane v27, v6;
	(xrf1) =	vsort.ascd.msk.f32 $0xffff, v28, v28  }
0xe5: {  	v25, _, _ =	vpop (xrf1);
	(xrf1) =	vsort.ascd.msk.f32 $0xffff, v24, v24  }
0xe6: {  	v27 =	vmax.f32 v25, v22;
	v25, _, _ =	vpop (xrf1)  }
0xe7: {  	v25 =	vperm.xlane v25, v6;
	(xrf1) =	vsort.ascd.msk.f32 $0xffff, v27, v27  }
0xe8: {  	v22, _, _ =	vpop (xrf1);
	(xrf1) =	vsort.ascd.msk.f32 $0xffff, v23, v23  }
0xe9: {  	v22 =	vmax.f32 v22, v25  }
0xea: {  	(xrf1) =	vsort.ascd.msk.f32 $0xffff, v22, v22;
	_ =	sdelay $0x1  }
0xeb: {  	v28 =	vld [tilespmem:$0x1E0]  }
0xec: {  	v22 =	vld [tilespmem:$0xE0];
	_ =	sdelay $0x1  }
0xed: {  	v25, _, _ =	vpop (xrf1)  }
0xee: {  	v27 =	vld [tilespmem:$0x160];
	v25 =	vperm.xlane v25, v6;
	v29, _, _ =	vpop (xrf1)  }
0xef: {  	v29 =	vperm.xlane v29, v6;
	v30, _, _ =	vpop (xrf1);
	(xrf1) =	vsort.ascd.msk.f32 $0xffff, v28, v28  }
0xf0: {  	v30 =	vmax.f32 v30, v25;
	v31, _, _ =	vpop (xrf1);
	(xrf1) =	vsort.ascd.msk.f32 $0xffff, v22, v22  }
0xf1: {  	v25 =	vld [tilespmem:$0x60];
	v32 =	vmax.f32 v31, v29;
	v31, _, _ =	vpop (xrf1);
	(xrf1) =	vsort.ascd.msk.f32 $0xffff, v30, v30  }
0xf2: {  	v31 =	vperm.xlane v31, v6;
	(xrf1) =	vsort.ascd.msk.f32 $0xffff, v32, v32  }
0xf3: {  	v29, _, _ =	vpop (xrf1);
	(xrf1) =	vsort.ascd.msk.f32 $0xffff, v27, v27  }
0xf4: {  	v31 =	vmax.f32 v29, v31;
	v30, _, _ =	vpop (xrf1)  }
0xf5: {  	v30 =	vperm.xlane v30, v6;
	(xrf1) =	vsort.ascd.msk.f32 $0xffff, v31, v31  }
0xf6: {  	v29, _, _ =	vpop (xrf1);
	(xrf1) =	vsort.ascd.msk.f32 $0xffff, v25, v25  }
0xf7: {  	v29 =	vmax.f32 v29, v30  }
0xf8: {  	(xrf1) =	vsort.ascd.msk.f32 $0xffff, v29, v29;
	_ =	sdelay $0x4  }
0xf9: {  	v29, _, _ =	vpop (xrf1)  }
0xfa: {  	v29 =	vperm.xlane v29, v6;
	v30, _, _ =	vpop (xrf1)  }
0xfb: {  	v30 =	vperm.xlane v30, v6;
	v31, _, _ =	vpop (xrf1)  }
0xfc: {  	v29 =	vmax.f32 v31, v29;
	v31, _, _ =	vpop (xrf1)  }
0xfd: {  	v32 =	vmax.f32 v31, v30;
	v31, _, _ =	vpop (xrf1);
	(xrf1) =	vsort.ascd.msk.f32 $0xffff, v29, v29  }
.Ltmp1:
0xfe: {  	v31 =	vperm.xlane v31, v6;
	(xrf1) =	vsort.ascd.msk.f32 $0xffff, v32, v32;
	(pc) =	sbr.rel @p0 .LBB2_1-.Ltmp1, $4  }
0xff: {  	v30, _, _ =	vpop (xrf1)  }
0x100: {  	v31 =	vmax.f32 v30, v31;
	v29, _, _ =	vpop (xrf1)  }
0x101: {  	v29 =	vperm.xlane v29, v6;
	(xrf1) =	vsort.ascd.msk.f32 $0xffff, v31, v31  }
0x102: {  	v30, _, _ =	vpop (xrf1)  }
.LBB2_2:
0x103: {  	_ =	sdelay $0x6  }
0x104: {  	v6 =	vmax.f32 v30, v29  }
0x105: {  	(xrf1) =	vsort.ascd.msk.f32 $0xffff, v6, v6;
	v39, _, _ =	vpop (xrf1)  }
0x106: {  	v6 =	vsel vm0, $0x0, v39  }
0x107: {  	(xrf2) =	vadd.scan.msk.f32 $0xffff, v6;
	_ =	sdelay $0x3  }
0x108: {  	v40, _, _ =	vpop (xrf1)  }
0x109: {  	v41, _, _ =	vpop (xrf1)  }
0x10a: {  	v29 =	vsel vm0, $0x0, v41  }
0x10b: {  	(xrf2) =	vadd.scan.msk.f32 $0xffff, v29;
	_ =	sdelay $0x2  }
0x10c: {  	v42, _, _ =	vpop (xrf2)  }
0x10d: {  	v29 =	vbroadcast v42, $0xF  }
0x10e: {  	v43, _, _ =	vpop (xrf1)  }
0x10f: {  	v30 =	vsel vm0, $0x0, v43;
	vm13 =	vge.f32 v26, v29  }
0x110: {  	(xrf2) =	vadd.scan.msk.f32 $0xffff, v30;
	vm14 =	vge.f32 v28, v29;
	v26 =	vnsel vm13, $0x0, v26  }
0x111: {  	vm1 =	vge.f32 v12, v29;
	v45 =	vnsel vm14, $0x0, v28;
	[tilespmem:$0x3D0] =	vst v26  }
0x112: {  	v6 =	vsel vm0, $0x0, v40;
	vm15 =	vge.f32 v18, v29;
	v12 =	vnsel vm1, $0x0, v12;
	[tilespmem:$0x3E0] =	vst v45  }
0x113: {  	(xrf2) =	vadd.scan.msk.f32 $0xffff, v6;
	vm10 =	vge.f32 v20, v29;
	v44, _, _ =	vpop (xrf2);
	v18 =	vnsel vm15, $0x0, v18;
	[tilespmem:$0x380] =	vst v12  }
0x114: {  	vm11 =	vge.f32 v7, v29;
	v52 =	vnsel vm10, $0x0, v20;
	v6 =	vbroadcast v44, $0xF;
	[tilespmem:$0x3B0] =	vst v18  }
0x115: {  	vm12 =	vge.f32 v8, v29;
	v7 =	vnsel vm11, $0x0, v7;
	[tilespmem:$0x3C0] =	vst v52  }
0x116: {  	v8 =	vnsel vm12, $0x0, v8;
	[tilespmem:$0x390] =	vst v7;
	vm4 =	vge.f32 v11, v6  }
0x117: {  	[tilespmem:$0x3A0] =	vst v8;
	vm5 =	vge.f32 v27, v6;
	v11 =	vnsel vm4, $0x0, v11  }
0x118: {  	vm6 =	vge.f32 v24, v6;
	v46 =	vnsel vm5, $0x0, v27;
	[tilespmem:$0x300] =	vst v11  }
0x119: {  	vm7 =	vge.f32 v21, v6;
	v47 =	vnsel vm6, $0x0, v24;
	[tilespmem:$0x360] =	vst v46  }
0x11a: {  	vm8 =	vge.f32 v9, v6;
	v48 =	vnsel vm7, $0x0, v21;
	[tilespmem:$0x350] =	vst v47;
	v49, _, _ =	vpop (xrf2)  }
0x11b: {  	vm9 =	vge.f32 v13, v6;
	v9 =	vnsel vm8, $0x0, v9;
	[tilespmem:$0x340] =	vst v48;
	v11 =	vbroadcast v49, $0xF  }
0x11c: {  	vm11 =	vge.f32 v15, v6;
	v50 =	vnsel vm9, $0x0, v13;
	[tilespmem:$0x310] =	vst v9  }
0x11d: {  	v60 =	vnsel vm11, $0x0, v15;
	[tilespmem:$0x320] =	vst v50;
	vm13 =	vge.f32 v23, v11  }
0x11e: {  	[tilespmem:$0x330] =	vst v60;
	v51, _, _ =	vpop (xrf2);
	vm4 =	vge.f32 v25, v11;
	v53 =	vnsel vm13, $0x0, v23  }
0x11f: {  	v9 =	vbroadcast v51, $0xF;
	vm9 =	vge.f32 v5, v11;
	v54 =	vnsel vm4, $0x0, v25;
	[tilespmem:$0x250] =	vst v53  }
0x120: {  	vm10 =	vge.f32 v14, v11;
	v58 =	vnsel vm9, $0x0, v5;
	[tilespmem:$0x260] =	vst v54  }
0x121: {  	vm14 =	vge.f32 v3, v9;
	v59 =	vnsel vm10, $0x0, v14;
	[tilespmem:$0x200] =	vst v58  }
0x122: {  	vm15 =	vge.f32 v1, v9;
	v3 =	vnsel vm14, $0x0, v3;
	[tilespmem:$0x230] =	vst v59  }
0x123: {  	vm5 =	vge.f32 v16, v9;
	v1 =	vnsel vm15, $0x0, v1;
	[tilespmem:$0x280] =	vst v3  }
0x124: {  	vm6 =	vge.f32 v2, v9;
	v55 =	vnsel vm5, $0x0, v16;
	[tilespmem:$0x290] =	vst v1  }
0x125: {  	vm7 =	vge.f32 v19, v9;
	v2 =	vnsel vm6, $0x0, v2;
	[tilespmem:$0x2C0] =	vst v55  }
0x126: {  	vm8 =	vge.f32 v10, v9;
	v56 =	vnsel vm7, $0x0, v19;
	[tilespmem:$0x2A0] =	vst v2  }
0x127: {  	vm12 =	vge.f32 v22, v9;
	v57 =	vnsel vm8, $0x0, v10;
	[tilespmem:$0x2D0] =	vst v56  }
0x128: {  	vm13 =	vge.f32 v17, v11;
	v61 =	vnsel vm12, $0x0, v22;
	[tilespmem:$0x2B0] =	vst v57  }
0x129: {  	vm14 =	vge.f32 v4, v11;
	v62 =	vnsel vm13, $0x0, v17;
	[tilespmem:$0x2E0] =	vst v61  }
0x12a: {  	vm15 =	vge.f32 v0, v11;
	v63 =	vnsel vm14, $0x0, v4;
	[tilespmem:$0x240] =	vst v62  }
0x12b: {  	v0 =	vnsel vm15, $0x0, v0;
	[tilespmem:$0x220] =	vst v63  }
0x12c: {  	[tilespmem:$0x210] =	vst v0  }
0x12d: {  	[hbm4b:s5+s2] =	stream.linear.scatter [tilespmem:s6], [sflag:$0x1], $0x200, $0x38;
	[tilespmem:$0x400] =	vst v63  }
0x12e: {  	_ =	swait.ge [sflag:s3], $0x200  }
0x12f: {  	[sflag:s3] =	ssyncset.done $0x0  }
0x130: {  	[sflag:s3] =	ssyncadd.s32 $0xFFFFFE00  }
0x131: {  	_ =	sfence.sel $0x180000  }
0x132: {  	[bflag:$0x0] =	sbarrier.arrive $0xFFFF  }
0x133: {  	p0 =	sne.s32 s0, $0x0;
	_ =	strace $0x90000047  }
0x134: {  	s0 =	sadd.s32 @!p0 $0x100000, s1;
	[bflag:$0x2] =	sbarrier.arrive $0xFFFF  }
0x135: {  	[sflag:s0] =	ssyncadd.tile.s32 @!p0 $0x1;
	_ =	shalt  }
.Lfunc_end2:
_tile_overlayer_lowered:
.L_overlay_start_2:
0x136: {  	(tag) =	ssettag $0x2  }
0x137: {  	s0 =	rddreg [dreg:$0x0];
	s2 =	stileid.u32  }
0x138: {  	s1 =	rddreg [dreg:$0x1];
	p0 =	sne.s32 s2, $0x0  }
0x139: {  	s3 =	rddreg [dreg:$0x2];
	[bflag:$0x3] =	sbarrier.arrive $0xFFFF;
	s2 =	simm.s32 @!p0 $0x1C01  }
0x13a: {  	[timem:s3], [sflag:s2] =	dma.local @!p0 [hbm:s0], s1  }
0x13b: {  	s0 =	simm.s32 @!p0 $0x1  }
0x13c: {  	_ =	swait.ge @!p0 [sflag:s0], s1  }
0x13d: {  	s1 =	ssub.s32 @!p0 $0x0, s1;
	[sflag:s0] =	ssyncset.done @!p0 $0x0  }
0x13e: {  	[sflag:s0] =	ssyncadd.s32 @!p0 s1  }
0x13f: {  	[bflag:$0x3] =	sbarrier.arrive $0xFFFF  }
0x140: {  	_ =	shalt  }

</sc_bundles>
